<compile_context>
chip_gen: v7x
topology: tpu7x:2x2x1
jax: 0.10.2.dev20260603
libtpu: 0.0.44.dev20260713+nightly
codegen_flags: <defaults>
</compile_context>

<pallas_src>
import jax
from jax import lax
import jax.numpy as jnp
from jax.experimental import pallas as pl
from jax.experimental.pallas import tpu as pltpu
from jax.experimental.pallas import tpu_sc as plsc

_EMBED = 64
_MODEL = 256
_SCALE = 16.0

_NC = 2
_NS = 16
_NW = _NC * _NS
_CHUNK = 128

_M_TILE = 2048
_PIPE = 4


def _sc_gather(table2, idx2):
    n = idx2.shape[0]
    b_per_w = n // _NW
    n_chunks = b_per_w // _CHUNK
    assert n_chunks % 2 == 0
    mesh = plsc.VectorSubcoreMesh(core_axis_name="c", subcore_axis_name="s")

    @pl.kernel(
        out_type=jax.ShapeDtypeStruct((n, 2 * _EMBED), table2.dtype),
        mesh=mesh,
        scratch_types=[
            pltpu.VMEM((b_per_w,), jnp.int32),
            pltpu.VMEM((_CHUNK, 2 * _EMBED), table2.dtype),
            pltpu.VMEM((_CHUNK, 2 * _EMBED), table2.dtype),
            pltpu.SemaphoreType.DMA,
            pltpu.SemaphoreType.DMA,
        ],
    )
    def gather_kernel(table_hbm, idx_hbm, out_hbm, idx_v, r0, r1, s0, s1):
        wid = lax.axis_index("s") * _NC + lax.axis_index("c")
        wbase = wid * b_per_w

        def start(j, rows, sem):
            pltpu.async_copy(
                table_hbm.at[idx_v.at[pl.ds(j * _CHUNK, _CHUNK)]], rows, sem
            )

        def drain(j, rows, sem):
            pltpu.make_async_copy(
                table_hbm.at[idx_v.at[pl.ds(j * _CHUNK, _CHUNK)]], rows, sem
            ).wait()

        pltpu.sync_copy(idx_hbm.at[pl.ds(wbase, b_per_w)], idx_v)
        start(0, r0, s0)

        @pl.loop(0, n_chunks // 2)
        def _(jj):
            j = jj * 2
            start(j + 1, r1, s1)
            drain(j, r0, s0)
            pltpu.sync_copy(r0, out_hbm.at[pl.ds(wbase + j * _CHUNK, _CHUNK)])

            @pl.when(j + 2 < n_chunks)
            def _():
                start(j + 2, r0, s0)

            drain(j + 1, r1, s1)
            pltpu.sync_copy(r1, out_hbm.at[pl.ds(wbase + (j + 1) * _CHUNK, _CHUNK)])

    return gather_kernel(table2, idx2)


def _mm_body(emb_hbm, p_ref, w_ref, b_ref, o_ref, abuf, s0, s1):
    i = pl.program_id(0)
    nt = pl.num_programs(0)
    slot = lax.rem(i, 2)

    def start(tile, s, sem):
        pltpu.make_async_copy(
            emb_hbm.at[pl.ds(tile * _M_TILE, _M_TILE)], abuf.at[s], sem
        ).start()

    def wait(tile, s, sem):
        pltpu.make_async_copy(
            emb_hbm.at[pl.ds(tile * _M_TILE, _M_TILE)], abuf.at[s], sem
        ).wait()

    @pl.when(i == 0)
    def _():
        start(0, 0, s0)

    @pl.when(jnp.logical_and(i + 1 < nt, slot == 0))
    def _():
        start(i + 1, 1, s1)

    @pl.when(jnp.logical_and(i + 1 < nt, slot == 1))
    def _():
        start(i + 1, 0, s0)

    @pl.when(slot == 0)
    def _():
        wait(i, 0, s0)

    @pl.when(slot == 1)
    def _():
        wait(i, 1, s1)

    a = abuf[slot]
    nb = _M_TILE // 128
    p2 = (p_ref[...] & 1).astype(jnp.float32)
    bsel = (
        lax.broadcasted_iota(jnp.int32, (_M_TILE, nb), 0) // 128
        == lax.broadcasted_iota(jnp.int32, (_M_TILE, nb), 1)
    ).astype(jnp.float32)
    rep = jax.lax.dot_general(
        bsel, p2, (((1,), (0,)), ((), ())), preferred_element_type=jnp.float32
    )
    delta = (
        lax.broadcasted_iota(jnp.int32, (_M_TILE, 128), 0) % 128
        == lax.broadcasted_iota(jnp.int32, (_M_TILE, 128), 1)
    )
    pcol = jnp.sum(jnp.where(delta, rep, 0.0), axis=1, keepdims=True)
    half = lax.broadcasted_iota(jnp.int32, (_M_TILE, 2 * _EMBED), 1) // _EMBED
    a_m = jnp.where(half.astype(jnp.float32) == pcol, a, jnp.float32(0))
    acc = jax.lax.dot_general(
        a_m, w_ref[...], (((1,), (0,)), ((), ())),
        preferred_element_type=jnp.float32,
    )
    o_ref[...] = (acc + b_ref[...]) * _SCALE


def _tc_project_chunk(dst, emb, par, w2, b2d, c, n_total):
    nc_rows = emb.shape[0]
    base = c * (nc_rows // _M_TILE)
    out_spec = pl.BlockSpec((_M_TILE, _MODEL), lambda i: (i + base, 0))
    out_shape = jax.ShapeDtypeStruct((n_total, _MODEL), jnp.float32)
    data_specs = [
        pl.BlockSpec(memory_space=pltpu.MemorySpace.HBM),
        pl.BlockSpec((_M_TILE // 128, 128), lambda i: (i, 0)),
        pl.BlockSpec((2 * _EMBED, _MODEL), lambda i: (0, 0)),
        pl.BlockSpec((1, _MODEL), lambda i: (0, 0)),
    ]
    scratch = [
        pltpu.VMEM((2, _M_TILE, 2 * _EMBED), jnp.float32),
        pltpu.SemaphoreType.DMA,
        pltpu.SemaphoreType.DMA,
    ]
    if dst is None:
        return pl.pallas_call(
            _mm_body,
            grid=(nc_rows // _M_TILE,),
            in_specs=data_specs,
            out_specs=out_spec,
            out_shape=out_shape,
            scratch_shapes=scratch,
            compiler_params=pltpu.CompilerParams(
                dimension_semantics=("arbitrary",)
            ),
        )(emb, par, w2, b2d)

    def body(a_ref, p_ref, w_ref, b_ref, dst_ref, o_ref, abuf, s0, s1):
        del dst_ref
        _mm_body(a_ref, p_ref, w_ref, b_ref, o_ref, abuf, s0, s1)

    return pl.pallas_call(
        body,
        grid=(nc_rows // _M_TILE,),
        in_specs=data_specs + [pl.BlockSpec(memory_space=pltpu.MemorySpace.HBM)],
        out_specs=out_spec,
        out_shape=out_shape,
        scratch_shapes=scratch,
        input_output_aliases={4: 0},
        compiler_params=pltpu.CompilerParams(dimension_semantics=("arbitrary",)),
    )(emb, par, w2, b2d, dst)


def kernel(x, table, W, b):
    bsz, seq = x.shape
    n = bsz * seq
    idx = x.reshape(n).astype(jnp.int32)
    table2 = table.reshape(table.shape[0] // 2, 2 * _EMBED)
    w2 = jnp.concatenate([W.T, W.T], axis=0)
    b2d = b.reshape(1, _MODEL)

    nc_rows = n // _PIPE
    out = None
    for c in range(_PIPE):
        idx_c = lax.dynamic_slice_in_dim(idx, c * nc_rows, nc_rows)
        emb_c = _sc_gather(table2, idx_c >> 1)
        idx2d_c = idx_c.reshape(nc_rows // 128, 128)
        out = _tc_project_chunk(out, emb_c, idx2d_c, w2, b2d, c, n)
    return out.reshape(bsz, seq, _MODEL)

# --- scband reference (transcript-rebuilt; emitter-appended) ---
"""Pipeline reference for scband-embedding-3753801417290 (READ-ONLY COPY).

The authoritative reference and input builder live on the scoring server;
editing this copy changes nothing except your own understanding.
"""

import jax, jax.numpy as jnp
import numpy as np
import math

VOCAB = 1000000
EMBED_DIM = 64
MODEL_DIM = 256
B, L = 4096, 200
SCALE = math.sqrt(float(MODEL_DIM))


def setup_inputs(seed: int = 0) -> dict:
    key = jax.random.key(seed)
    k1, k2, k3 = jax.random.split(key, 3)
    x = jax.random.randint(k1, (B, L), 0, VOCAB, dtype=jnp.int64) if jax.config.jax_enable_x64 else jax.random.randint(k1, (B, L), 0, VOCAB, dtype=jnp.int32)
    table = jax.random.normal(k2, (VOCAB, EMBED_DIM), dtype=jnp.float32) * 0.02
    W = jax.random.normal(k3, (MODEL_DIM, EMBED_DIM), dtype=jnp.float32) * (1.0 / math.sqrt(EMBED_DIM))
    b = jnp.zeros((MODEL_DIM,), dtype=jnp.float32)
    return {"x": x, "table": table, "W": W, "b": b}


def reference(x, table, W, b):
    # nn.Embedding: gather rows of the table
    token_embedding = jnp.take(table, x, axis=0)  # [B, L, EMBED_DIM]
    # nn.Linear: y = x @ W^T + b, then scale by sqrt(model_dim)
    model_embedding = (token_embedding @ W.T + b) * jnp.float32(SCALE)
    return model_embedding

if __name__ == "__main__":
    import jax
    _d = setup_inputs()
    print(jax.jit(kernel)(*tuple(_d.values())))

</pallas_src>

<mosaic_0001>
#map = affine_map<(d0, d1) -> (0, 0)>
#map1 = affine_map<(d0, d1) -> (0)>
module attributes {stable_mosaic.version = 14 : i64} {
  func.func @gather_kernel(%arg0: i32, %arg1: i32, %arg2: memref<500000x128xf32, #tpu.memory_space<hbm>>, %arg3: memref<204800xi32, #tpu.memory_space<hbm>>, %arg4: memref<204800x128xf32, #tpu.memory_space<hbm>>, %arg5: memref<6400xi32, #tpu.memory_space<vmem>>, %arg6: memref<128x128xf32, #tpu.memory_space<vmem>>, %arg7: memref<128x128xf32, #tpu.memory_space<vmem>>, %arg8: memref<!tpu.dma_semaphore, #tpu.memory_space<semaphore_mem>>, %arg9: memref<!tpu.dma_semaphore, #tpu.memory_space<semaphore_mem>>) attributes {dimension_semantics = [#tpu.dimension_semantics<core_parallel>, #tpu.dimension_semantics<subcore_parallel>], iteration_bounds = array<i64: 2, 16>, scalar_prefetch = 0 : i64, scratch_operands = 5 : i64, tpu.core_type = #tpu.core_type<sc_vector_subcore>, window_params = [{transform_indices = #map}, {transform_indices = #map1}, {transform_indices = #map}]} {
    %mul3A = arith.constant 2 : i32
    %mul3A_0 = arith.muli %arg1, %mul3A : i32
    %add3A = arith.addi %mul3A_0, %arg0 : i32
    %mul3A_1 = arith.constant 6400 : i32
    %mul3A_2 = arith.muli %add3A, %mul3A_1 : i32
    "tpu.region"() ({
      %run_scoped3A = tpu.sem_alloc : memref<!tpu.dma_semaphore, #tpu.memory_space<semaphore_mem>>
      %dma_start3A_11 = tpu.memref_slice %arg3[%mul3A_2] : memref<204800xi32, #tpu.memory_space<hbm>> -> memref<6400xi32, #tpu.memory_space<hbm>>
      %dma_start3A_12 = tpu.memref_slice %arg3[%mul3A_2] : memref<204800xi32, #tpu.memory_space<hbm>> -> memref<6400xi32, #tpu.memory_space<hbm>>
      tpu.enqueue_dma source(%dma_start3A_12 : memref<6400xi32, #tpu.memory_space<hbm>>) target(%arg5 : memref<6400xi32, #tpu.memory_space<vmem>>) target_semaphore(%run_scoped3A : memref<!tpu.dma_semaphore, #tpu.memory_space<semaphore_mem>>)
      %dma_wait3A = tpu.memref_slice %arg3[%mul3A_2] : memref<204800xi32, #tpu.memory_space<hbm>> -> memref<6400xi32, #tpu.memory_space<hbm>>
      %dma_wait3A_13 = tpu.memref_slice %arg3[%mul3A_2] : memref<204800xi32, #tpu.memory_space<hbm>> -> memref<6400xi32, #tpu.memory_space<hbm>>
      tpu.wait_dma2 semaphore(%run_scoped3A : memref<!tpu.dma_semaphore, #tpu.memory_space<semaphore_mem>>) src(%dma_wait3A_13 : memref<6400xi32, #tpu.memory_space<hbm>>) dst(%arg5 : memref<6400xi32, #tpu.memory_space<vmem>>)
      tpu.yield
    }) : () -> ()
    %dma_start3A = arith.constant 0 : i32
    %dma_start3A_3 = tpu.memref_slice %arg5[%dma_start3A] : memref<6400xi32, #tpu.memory_space<vmem>> -> memref<128xi32, #tpu.memory_space<vmem>>
    %dma_start3A_4 = arith.constant 0 : i32
    %dma_start3A_5 = arith.constant 0 : i32
    %dma_start3A_6 = tpu.memref_slice %arg2[%dma_start3A_4, %dma_start3A_5] : memref<500000x128xf32, #tpu.memory_space<hbm>> -> memref<500000x128xf32, #tpu.memory_space<hbm>>
    tpu.enqueue_indirect_dma source(%dma_start3A_6 : memref<500000x128xf32, #tpu.memory_space<hbm>>) target(%arg6 : memref<128x128xf32, #tpu.memory_space<vmem>>) offsets(%dma_start3A_3 : memref<128xi32, #tpu.memory_space<vmem>>) semaphore(%arg8 : memref<!tpu.dma_semaphore, #tpu.memory_space<semaphore_mem>>)
    %scan3A = arith.constant 0 : i32
    %scan3A_7 = arith.constant 25 : i32
    %scan3A_8 = arith.addi %scan3A, %scan3A_7 : i32
    %scan3A_9 = arith.constant 1 : i32
    scf.for %scan3A_11 = %scan3A to %scan3A_8 step %scan3A_9  : i32 {
      %mul3A_12 = arith.constant 1 : i32
      %mul3A_13 = arith.muli %scan3A_11, %mul3A_12 : i32
      %add3A_14 = arith.constant 0 : i32
      %add3A_15 = arith.addi %add3A_14, %mul3A_13 : i32
      %mul3A_16 = arith.constant 2 : i32
      %mul3A_17 = arith.muli %add3A_15, %mul3A_16 : i32
      %add3A_18 = arith.constant 1 : i32
      %add3A_19 = arith.addi %mul3A_17, %add3A_18 : i32
      %mul3A_20 = arith.constant 128 : i32
      %mul3A_21 = arith.muli %add3A_19, %mul3A_20 : i32
      %dma_start3A_22 = tpu.memref_slice %arg5[%mul3A_21] : memref<6400xi32, #tpu.memory_space<vmem>> -> memref<128xi32, #tpu.memory_space<vmem>>
      %dma_start3A_23 = arith.constant 0 : i32
      %dma_start3A_24 = arith.constant 0 : i32
      %dma_start3A_25 = tpu.memref_slice %arg2[%dma_start3A_23, %dma_start3A_24] : memref<500000x128xf32, #tpu.memory_space<hbm>> -> memref<500000x128xf32, #tpu.memory_space<hbm>>
      tpu.enqueue_indirect_dma source(%dma_start3A_25 : memref<500000x128xf32, #tpu.memory_space<hbm>>) target(%arg7 : memref<128x128xf32, #tpu.memory_space<vmem>>) offsets(%dma_start3A_22 : memref<128xi32, #tpu.memory_space<vmem>>) semaphore(%arg9 : memref<!tpu.dma_semaphore, #tpu.memory_space<semaphore_mem>>)
      %mul3A_26 = arith.constant 128 : i32
      %mul3A_27 = arith.muli %mul3A_17, %mul3A_26 : i32
      %dma_wait3A = tpu.memref_slice %arg5[%mul3A_27] : memref<6400xi32, #tpu.memory_space<vmem>> -> memref<128xi32, #tpu.memory_space<vmem>>
      %dma_wait3A_28 = arith.constant 0 : i32
      %dma_wait3A_29 = arith.constant 0 : i32
      %dma_wait3A_30 = tpu.memref_slice %arg2[%dma_wait3A_28, %dma_wait3A_29] : memref<500000x128xf32, #tpu.memory_space<hbm>> -> memref<500000x128xf32, #tpu.memory_space<hbm>>
      tpu.wait_indirect_dma semaphore(%arg8 : memref<!tpu.dma_semaphore, #tpu.memory_space<semaphore_mem>>) src(%dma_wait3A_30 : memref<500000x128xf32, #tpu.memory_space<hbm>>) dst(%arg6 : memref<128x128xf32, #tpu.memory_space<vmem>>)
      %mul3A_31 = arith.constant 128 : i32
      %mul3A_32 = arith.muli %mul3A_17, %mul3A_31 : i32
      %add3A_33 = arith.addi %mul3A_2, %mul3A_32 : i32
      "tpu.region"() ({
        %run_scoped3A = tpu.sem_alloc : memref<!tpu.dma_semaphore, #tpu.memory_space<semaphore_mem>>
        %dma_start3A_51 = arith.constant 0 : i32
        %dma_start3A_52 = tpu.memref_slice %arg4[%add3A_33, %dma_start3A_51] : memref<204800x128xf32, #tpu.memory_space<hbm>> -> memref<128x128xf32, #tpu.memory_space<hbm>>
        %dma_start3A_53 = arith.constant 0 : i32
        %dma_start3A_54 = tpu.memref_slice %arg4[%add3A_33, %dma_start3A_53] : memref<204800x128xf32, #tpu.memory_space<hbm>> -> memref<128x128xf32, #tpu.memory_space<hbm>>
        tpu.enqueue_dma source(%arg6 : memref<128x128xf32, #tpu.memory_space<vmem>>) target(%dma_start3A_54 : memref<128x128xf32, #tpu.memory_space<hbm>>) target_semaphore(%run_scoped3A : memref<!tpu.dma_semaphore, #tpu.memory_space<semaphore_mem>>)
        %dma_wait3A_55 = arith.constant 0 : i32
        %dma_wait3A_56 = tpu.memref_slice %arg4[%add3A_33, %dma_wait3A_55] : memref<204800x128xf32, #tpu.memory_space<hbm>> -> memref<128x128xf32, #tpu.memory_space<hbm>>
        %dma_wait3A_57 = arith.constant 0 : i32
        %dma_wait3A_58 = tpu.memref_slice %arg4[%add3A_33, %dma_wait3A_57] : memref<204800x128xf32, #tpu.memory_space<hbm>> -> memref<128x128xf32, #tpu.memory_space<hbm>>
        tpu.wait_dma2 semaphore(%run_scoped3A : memref<!tpu.dma_semaphore, #tpu.memory_space<semaphore_mem>>) src(%arg6 : memref<128x128xf32, #tpu.memory_space<vmem>>) dst(%dma_wait3A_58 : memref<128x128xf32, #tpu.memory_space<hbm>>)
        tpu.yield
      }) : () -> ()
      %add3A_34 = arith.constant 2 : i32
      %add3A_35 = arith.addi %mul3A_17, %add3A_34 : i32
      %lt3A = arith.constant 50 : i32
      %lt3A_36 = arith.cmpi slt, %add3A_35, %lt3A : i32
      %convert_element_type3A = arith.extui %lt3A_36 : i1 to i32
      %cond3A = arith.constant 0 : i32
      %cond3A_37 = arith.cmpi ne, %convert_element_type3A, %cond3A : i32
      scf.if %cond3A_37 {
        %add3A_51 = arith.constant 2 : i32
        %add3A_52 = arith.addi %mul3A_17, %add3A_51 : i32
        %mul3A_53 = arith.constant 128 : i32
        %mul3A_54 = arith.muli %add3A_52, %mul3A_53 : i32
        %dma_start3A_55 = tpu.memref_slice %arg5[%mul3A_54] : memref<6400xi32, #tpu.memory_space<vmem>> -> memref<128xi32, #tpu.memory_space<vmem>>
        %dma_start3A_56 = arith.constant 0 : i32
        %dma_start3A_57 = arith.constant 0 : i32
        %dma_start3A_58 = tpu.memref_slice %arg2[%dma_start3A_56, %dma_start3A_57] : memref<500000x128xf32, #tpu.memory_space<hbm>> -> memref<500000x128xf32, #tpu.memory_space<hbm>>
        tpu.enqueue_indirect_dma source(%dma_start3A_58 : memref<500000x128xf32, #tpu.memory_space<hbm>>) target(%arg6 : memref<128x128xf32, #tpu.memory_space<vmem>>) offsets(%dma_start3A_55 : memref<128xi32, #tpu.memory_space<vmem>>) semaphore(%arg8 : memref<!tpu.dma_semaphore, #tpu.memory_space<semaphore_mem>>)
      } else {
      }
      %add3A_38 = arith.constant 1 : i32
      %add3A_39 = arith.addi %mul3A_17, %add3A_38 : i32
      %mul3A_40 = arith.constant 128 : i32
      %mul3A_41 = arith.muli %add3A_39, %mul3A_40 : i32
      %dma_wait3A_42 = tpu.memref_slice %arg5[%mul3A_41] : memref<6400xi32, #tpu.memory_space<vmem>> -> memref<128xi32, #tpu.memory_space<vmem>>
      %dma_wait3A_43 = arith.constant 0 : i32
      %dma_wait3A_44 = arith.constant 0 : i32
      %dma_wait3A_45 = tpu.memref_slice %arg2[%dma_wait3A_43, %dma_wait3A_44] : memref<500000x128xf32, #tpu.memory_space<hbm>> -> memref<500000x128xf32, #tpu.memory_space<hbm>>
      tpu.wait_indirect_dma semaphore(%arg9 : memref<!tpu.dma_semaphore, #tpu.memory_space<semaphore_mem>>) src(%dma_wait3A_45 : memref<500000x128xf32, #tpu.memory_space<hbm>>) dst(%arg7 : memref<128x128xf32, #tpu.memory_space<vmem>>)
      %add3A_46 = arith.constant 1 : i32
      %add3A_47 = arith.addi %mul3A_17, %add3A_46 : i32
      %mul3A_48 = arith.constant 128 : i32
      %mul3A_49 = arith.muli %add3A_47, %mul3A_48 : i32
      %add3A_50 = arith.addi %mul3A_2, %mul3A_49 : i32
      "tpu.region"() ({
        %run_scoped3A = tpu.sem_alloc : memref<!tpu.dma_semaphore, #tpu.memory_space<semaphore_mem>>
        %dma_start3A_51 = arith.constant 0 : i32
        %dma_start3A_52 = tpu.memref_slice %arg4[%add3A_50, %dma_start3A_51] : memref<204800x128xf32, #tpu.memory_space<hbm>> -> memref<128x128xf32, #tpu.memory_space<hbm>>
        %dma_start3A_53 = arith.constant 0 : i32
        %dma_start3A_54 = tpu.memref_slice %arg4[%add3A_50, %dma_start3A_53] : memref<204800x128xf32, #tpu.memory_space<hbm>> -> memref<128x128xf32, #tpu.memory_space<hbm>>
        tpu.enqueue_dma source(%arg7 : memref<128x128xf32, #tpu.memory_space<vmem>>) target(%dma_start3A_54 : memref<128x128xf32, #tpu.memory_space<hbm>>) target_semaphore(%run_scoped3A : memref<!tpu.dma_semaphore, #tpu.memory_space<semaphore_mem>>)
        %dma_wait3A_55 = arith.constant 0 : i32
        %dma_wait3A_56 = tpu.memref_slice %arg4[%add3A_50, %dma_wait3A_55] : memref<204800x128xf32, #tpu.memory_space<hbm>> -> memref<128x128xf32, #tpu.memory_space<hbm>>
        %dma_wait3A_57 = arith.constant 0 : i32
        %dma_wait3A_58 = tpu.memref_slice %arg4[%add3A_50, %dma_wait3A_57] : memref<204800x128xf32, #tpu.memory_space<hbm>> -> memref<128x128xf32, #tpu.memory_space<hbm>>
        tpu.wait_dma2 semaphore(%run_scoped3A : memref<!tpu.dma_semaphore, #tpu.memory_space<semaphore_mem>>) src(%arg7 : memref<128x128xf32, #tpu.memory_space<vmem>>) dst(%dma_wait3A_58 : memref<128x128xf32, #tpu.memory_space<hbm>>)
        tpu.yield
      }) : () -> ()
    }
    %scan3A_10 = arith.constant 25 : i32
    return
  }
}

#map = affine_map<(d0, d1) -> (0, 0)>
#map1 = affine_map<(d0, d1) -> (0)>
module attributes {stable_mosaic.version = 14 : i64} {
  func.func @gather_kernel(%arg0: i32, %arg1: i32, %arg2: memref<500000x128xf32, #tpu.memory_space<hbm>>, %arg3: memref<204800xi32, #tpu.memory_space<hbm>>, %arg4: memref<204800x128xf32, #tpu.memory_space<hbm>>, %arg5: memref<6400xi32, #tpu.memory_space<vmem>>, %arg6: memref<128x128xf32, #tpu.memory_space<vmem>>, %arg7: memref<128x128xf32, #tpu.memory_space<vmem>>, %arg8: memref<!tpu.dma_semaphore, #tpu.memory_space<semaphore_mem>>, %arg9: memref<!tpu.dma_semaphore, #tpu.memory_space<semaphore_mem>>) attributes {dimension_semantics = [#tpu.dimension_semantics<core_parallel>, #tpu.dimension_semantics<subcore_parallel>], iteration_bounds = array<i64: 2, 16>, scalar_prefetch = 0 : i64, scratch_operands = 5 : i64, tpu.core_type = #tpu.core_type<sc_vector_subcore>, window_params = [{transform_indices = #map}, {transform_indices = #map1}, {transform_indices = #map}]} {
    %mul3A = arith.constant 2 : i32
    %mul3A_0 = arith.muli %arg1, %mul3A : i32
    %add3A = arith.addi %mul3A_0, %arg0 : i32
    %mul3A_1 = arith.constant 6400 : i32
    %mul3A_2 = arith.muli %add3A, %mul3A_1 : i32
    "tpu.region"() ({
      %run_scoped3A = tpu.sem_alloc : memref<!tpu.dma_semaphore, #tpu.memory_space<semaphore_mem>>
      %dma_start3A_11 = tpu.memref_slice %arg3[%mul3A_2] : memref<204800xi32, #tpu.memory_space<hbm>> -> memref<6400xi32, #tpu.memory_space<hbm>>
      %dma_start3A_12 = tpu.memref_slice %arg3[%mul3A_2] : memref<204800xi32, #tpu.memory_space<hbm>> -> memref<6400xi32, #tpu.memory_space<hbm>>
      tpu.enqueue_dma source(%dma_start3A_12 : memref<6400xi32, #tpu.memory_space<hbm>>) target(%arg5 : memref<6400xi32, #tpu.memory_space<vmem>>) target_semaphore(%run_scoped3A : memref<!tpu.dma_semaphore, #tpu.memory_space<semaphore_mem>>)
      %dma_wait3A = tpu.memref_slice %arg3[%mul3A_2] : memref<204800xi32, #tpu.memory_space<hbm>> -> memref<6400xi32, #tpu.memory_space<hbm>>
      %dma_wait3A_13 = tpu.memref_slice %arg3[%mul3A_2] : memref<204800xi32, #tpu.memory_space<hbm>> -> memref<6400xi32, #tpu.memory_space<hbm>>
      tpu.wait_dma2 semaphore(%run_scoped3A : memref<!tpu.dma_semaphore, #tpu.memory_space<semaphore_mem>>) src(%dma_wait3A_13 : memref<6400xi32, #tpu.memory_space<hbm>>) dst(%arg5 : memref<6400xi32, #tpu.memory_space<vmem>>)
      tpu.yield
    }) : () -> ()
    %dma_start3A = arith.constant 0 : i32
    %dma_start3A_3 = tpu.memref_slice %arg5[%dma_start3A] : memref<6400xi32, #tpu.memory_space<vmem>> -> memref<128xi32, #tpu.memory_space<vmem>>
    %dma_start3A_4 = arith.constant 0 : i32
    %dma_start3A_5 = arith.constant 0 : i32
    %dma_start3A_6 = tpu.memref_slice %arg2[%dma_start3A_4, %dma_start3A_5] : memref<500000x128xf32, #tpu.memory_space<hbm>> -> memref<500000x128xf32, #tpu.memory_space<hbm>>
    tpu.enqueue_indirect_dma source(%dma_start3A_6 : memref<500000x128xf32, #tpu.memory_space<hbm>>) target(%arg6 : memref<128x128xf32, #tpu.memory_space<vmem>>) offsets(%dma_start3A_3 : memref<128xi32, #tpu.memory_space<vmem>>) semaphore(%arg8 : memref<!tpu.dma_semaphore, #tpu.memory_space<semaphore_mem>>)
    %scan3A = arith.constant 0 : i32
    %scan3A_7 = arith.constant 25 : i32
    %scan3A_8 = arith.addi %scan3A, %scan3A_7 : i32
    %scan3A_9 = arith.constant 1 : i32
    scf.for %scan3A_11 = %scan3A to %scan3A_8 step %scan3A_9  : i32 {
      %mul3A_12 = arith.constant 1 : i32
      %mul3A_13 = arith.muli %scan3A_11, %mul3A_12 : i32
      %add3A_14 = arith.constant 0 : i32
      %add3A_15 = arith.addi %add3A_14, %mul3A_13 : i32
      %mul3A_16 = arith.constant 2 : i32
      %mul3A_17 = arith.muli %add3A_15, %mul3A_16 : i32
      %add3A_18 = arith.constant 1 : i32
      %add3A_19 = arith.addi %mul3A_17, %add3A_18 : i32
      %mul3A_20 = arith.constant 128 : i32
      %mul3A_21 = arith.muli %add3A_19, %mul3A_20 : i32
      %dma_start3A_22 = tpu.memref_slice %arg5[%mul3A_21] : memref<6400xi32, #tpu.memory_space<vmem>> -> memref<128xi32, #tpu.memory_space<vmem>>
      %dma_start3A_23 = arith.constant 0 : i32
      %dma_start3A_24 = arith.constant 0 : i32
      %dma_start3A_25 = tpu.memref_slice %arg2[%dma_start3A_23, %dma_start3A_24] : memref<500000x128xf32, #tpu.memory_space<hbm>> -> memref<500000x128xf32, #tpu.memory_space<hbm>>
      tpu.enqueue_indirect_dma source(%dma_start3A_25 : memref<500000x128xf32, #tpu.memory_space<hbm>>) target(%arg7 : memref<128x128xf32, #tpu.memory_space<vmem>>) offsets(%dma_start3A_22 : memref<128xi32, #tpu.memory_space<vmem>>) semaphore(%arg9 : memref<!tpu.dma_semaphore, #tpu.memory_space<semaphore_mem>>)
      %mul3A_26 = arith.constant 128 : i32
      %mul3A_27 = arith.muli %mul3A_17, %mul3A_26 : i32
      %dma_wait3A = tpu.memref_slice %arg5[%mul3A_27] : memref<6400xi32, #tpu.memory_space<vmem>> -> memref<128xi32, #tpu.memory_space<vmem>>
      %dma_wait3A_28 = arith.constant 0 : i32
      %dma_wait3A_29 = arith.constant 0 : i32
      %dma_wait3A_30 = tpu.memref_slice %arg2[%dma_wait3A_28, %dma_wait3A_29] : memref<500000x128xf32, #tpu.memory_space<hbm>> -> memref<500000x128xf32, #tpu.memory_space<hbm>>
      tpu.wait_indirect_dma semaphore(%arg8 : memref<!tpu.dma_semaphore, #tpu.memory_space<semaphore_mem>>) src(%dma_wait3A_30 : memref<500000x128xf32, #tpu.memory_space<hbm>>) dst(%arg6 : memref<128x128xf32, #tpu.memory_space<vmem>>)
      %mul3A_31 = arith.constant 128 : i32
      %mul3A_32 = arith.muli %mul3A_17, %mul3A_31 : i32
      %add3A_33 = arith.addi %mul3A_2, %mul3A_32 : i32
      "tpu.region"() ({
        %run_scoped3A = tpu.sem_alloc : memref<!tpu.dma_semaphore, #tpu.memory_space<semaphore_mem>>
        %dma_start3A_51 = arith.constant 0 : i32
        %dma_start3A_52 = tpu.memref_slice %arg4[%add3A_33, %dma_start3A_51] : memref<204800x128xf32, #tpu.memory_space<hbm>> -> memref<128x128xf32, #tpu.memory_space<hbm>>
        %dma_start3A_53 = arith.constant 0 : i32
        %dma_start3A_54 = tpu.memref_slice %arg4[%add3A_33, %dma_start3A_53] : memref<204800x128xf32, #tpu.memory_space<hbm>> -> memref<128x128xf32, #tpu.memory_space<hbm>>
        tpu.enqueue_dma source(%arg6 : memref<128x128xf32, #tpu.memory_space<vmem>>) target(%dma_start3A_54 : memref<128x128xf32, #tpu.memory_space<hbm>>) target_semaphore(%run_scoped3A : memref<!tpu.dma_semaphore, #tpu.memory_space<semaphore_mem>>)
        %dma_wait3A_55 = arith.constant 0 : i32
        %dma_wait3A_56 = tpu.memref_slice %arg4[%add3A_33, %dma_wait3A_55] : memref<204800x128xf32, #tpu.memory_space<hbm>> -> memref<128x128xf32, #tpu.memory_space<hbm>>
        %dma_wait3A_57 = arith.constant 0 : i32
        %dma_wait3A_58 = tpu.memref_slice %arg4[%add3A_33, %dma_wait3A_57] : memref<204800x128xf32, #tpu.memory_space<hbm>> -> memref<128x128xf32, #tpu.memory_space<hbm>>
        tpu.wait_dma2 semaphore(%run_scoped3A : memref<!tpu.dma_semaphore, #tpu.memory_space<semaphore_mem>>) src(%arg6 : memref<128x128xf32, #tpu.memory_space<vmem>>) dst(%dma_wait3A_58 : memref<128x128xf32, #tpu.memory_space<hbm>>)
        tpu.yield
      }) : () -> ()
      %add3A_34 = arith.constant 2 : i32
      %add3A_35 = arith.addi %mul3A_17, %add3A_34 : i32
      %lt3A = arith.constant 50 : i32
      %lt3A_36 = arith.cmpi slt, %add3A_35, %lt3A : i32
      %convert_element_type3A = arith.extui %lt3A_36 : i1 to i32
      %cond3A = arith.constant 0 : i32
      %cond3A_37 = arith.cmpi ne, %convert_element_type3A, %cond3A : i32
      scf.if %cond3A_37 {
        %add3A_51 = arith.constant 2 : i32
        %add3A_52 = arith.addi %mul3A_17, %add3A_51 : i32
        %mul3A_53 = arith.constant 128 : i32
        %mul3A_54 = arith.muli %add3A_52, %mul3A_53 : i32
        %dma_start3A_55 = tpu.memref_slice %arg5[%mul3A_54] : memref<6400xi32, #tpu.memory_space<vmem>> -> memref<128xi32, #tpu.memory_space<vmem>>
        %dma_start3A_56 = arith.constant 0 : i32
        %dma_start3A_57 = arith.constant 0 : i32
        %dma_start3A_58 = tpu.memref_slice %arg2[%dma_start3A_56, %dma_start3A_57] : memref<500000x128xf32, #tpu.memory_space<hbm>> -> memref<500000x128xf32, #tpu.memory_space<hbm>>
        tpu.enqueue_indirect_dma source(%dma_start3A_58 : memref<500000x128xf32, #tpu.memory_space<hbm>>) target(%arg6 : memref<128x128xf32, #tpu.memory_space<vmem>>) offsets(%dma_start3A_55 : memref<128xi32, #tpu.memory_space<vmem>>) semaphore(%arg8 : memref<!tpu.dma_semaphore, #tpu.memory_space<semaphore_mem>>)
      } else {
      }
      %add3A_38 = arith.constant 1 : i32
      %add3A_39 = arith.addi %mul3A_17, %add3A_38 : i32
      %mul3A_40 = arith.constant 128 : i32
      %mul3A_41 = arith.muli %add3A_39, %mul3A_40 : i32
      %dma_wait3A_42 = tpu.memref_slice %arg5[%mul3A_41] : memref<6400xi32, #tpu.memory_space<vmem>> -> memref<128xi32, #tpu.memory_space<vmem>>
      %dma_wait3A_43 = arith.constant 0 : i32
      %dma_wait3A_44 = arith.constant 0 : i32
      %dma_wait3A_45 = tpu.memref_slice %arg2[%dma_wait3A_43, %dma_wait3A_44] : memref<500000x128xf32, #tpu.memory_space<hbm>> -> memref<500000x128xf32, #tpu.memory_space<hbm>>
      tpu.wait_indirect_dma semaphore(%arg9 : memref<!tpu.dma_semaphore, #tpu.memory_space<semaphore_mem>>) src(%dma_wait3A_45 : memref<500000x128xf32, #tpu.memory_space<hbm>>) dst(%arg7 : memref<128x128xf32, #tpu.memory_space<vmem>>)
      %add3A_46 = arith.constant 1 : i32
      %add3A_47 = arith.addi %mul3A_17, %add3A_46 : i32
      %mul3A_48 = arith.constant 128 : i32
      %mul3A_49 = arith.muli %add3A_47, %mul3A_48 : i32
      %add3A_50 = arith.addi %mul3A_2, %mul3A_49 : i32
      "tpu.region"() ({
        %run_scoped3A = tpu.sem_alloc : memref<!tpu.dma_semaphore, #tpu.memory_space<semaphore_mem>>
        %dma_start3A_51 = arith.constant 0 : i32
        %dma_start3A_52 = tpu.memref_slice %arg4[%add3A_50, %dma_start3A_51] : memref<204800x128xf32, #tpu.memory_space<hbm>> -> memref<128x128xf32, #tpu.memory_space<hbm>>
        %dma_start3A_53 = arith.constant 0 : i32
        %dma_start3A_54 = tpu.memref_slice %arg4[%add3A_50, %dma_start3A_53] : memref<204800x128xf32, #tpu.memory_space<hbm>> -> memref<128x128xf32, #tpu.memory_space<hbm>>
        tpu.enqueue_dma source(%arg7 : memref<128x128xf32, #tpu.memory_space<vmem>>) target(%dma_start3A_54 : memref<128x128xf32, #tpu.memory_space<hbm>>) target_semaphore(%run_scoped3A : memref<!tpu.dma_semaphore, #tpu.memory_space<semaphore_mem>>)
        %dma_wait3A_55 = arith.constant 0 : i32
        %dma_wait3A_56 = tpu.memref_slice %arg4[%add3A_50, %dma_wait3A_55] : memref<204800x128xf32, #tpu.memory_space<hbm>> -> memref<128x128xf32, #tpu.memory_space<hbm>>
        %dma_wait3A_57 = arith.constant 0 : i32
        %dma_wait3A_58 = tpu.memref_slice %arg4[%add3A_50, %dma_wait3A_57] : memref<204800x128xf32, #tpu.memory_space<hbm>> -> memref<128x128xf32, #tpu.memory_space<hbm>>
        tpu.wait_dma2 semaphore(%run_scoped3A : memref<!tpu.dma_semaphore, #tpu.memory_space<semaphore_mem>>) src(%arg7 : memref<128x128xf32, #tpu.memory_space<vmem>>) dst(%dma_wait3A_58 : memref<128x128xf32, #tpu.memory_space<hbm>>)
        tpu.yield
      }) : () -> ()
    }
    %scan3A_10 = arith.constant 25 : i32
    return
  }
}

#map = affine_map<(d0, d1) -> (0, 0)>
#map1 = affine_map<(d0, d1) -> (0)>
module attributes {stable_mosaic.version = 14 : i64} {
  func.func @gather_kernel(%arg0: i32, %arg1: i32, %arg2: memref<500000x128xf32, #tpu.memory_space<hbm>>, %arg3: memref<204800xi32, #tpu.memory_space<hbm>>, %arg4: memref<204800x128xf32, #tpu.memory_space<hbm>>, %arg5: memref<6400xi32, #tpu.memory_space<vmem>>, %arg6: memref<128x128xf32, #tpu.memory_space<vmem>>, %arg7: memref<128x128xf32, #tpu.memory_space<vmem>>, %arg8: memref<!tpu.dma_semaphore, #tpu.memory_space<semaphore_mem>>, %arg9: memref<!tpu.dma_semaphore, #tpu.memory_space<semaphore_mem>>) attributes {dimension_semantics = [#tpu.dimension_semantics<core_parallel>, #tpu.dimension_semantics<subcore_parallel>], iteration_bounds = array<i64: 2, 16>, scalar_prefetch = 0 : i64, scratch_operands = 5 : i64, tpu.core_type = #tpu.core_type<sc_vector_subcore>, window_params = [{transform_indices = #map}, {transform_indices = #map1}, {transform_indices = #map}]} {
    %mul3A = arith.constant 2 : i32
    %mul3A_0 = arith.muli %arg1, %mul3A : i32
    %add3A = arith.addi %mul3A_0, %arg0 : i32
    %mul3A_1 = arith.constant 6400 : i32
    %mul3A_2 = arith.muli %add3A, %mul3A_1 : i32
    "tpu.region"() ({
      %run_scoped3A = tpu.sem_alloc : memref<!tpu.dma_semaphore, #tpu.memory_space<semaphore_mem>>
      %dma_start3A_11 = tpu.memref_slice %arg3[%mul3A_2] : memref<204800xi32, #tpu.memory_space<hbm>> -> memref<6400xi32, #tpu.memory_space<hbm>>
      %dma_start3A_12 = tpu.memref_slice %arg3[%mul3A_2] : memref<204800xi32, #tpu.memory_space<hbm>> -> memref<6400xi32, #tpu.memory_space<hbm>>
      tpu.enqueue_dma source(%dma_start3A_12 : memref<6400xi32, #tpu.memory_space<hbm>>) target(%arg5 : memref<6400xi32, #tpu.memory_space<vmem>>) target_semaphore(%run_scoped3A : memref<!tpu.dma_semaphore, #tpu.memory_space<semaphore_mem>>)
      %dma_wait3A = tpu.memref_slice %arg3[%mul3A_2] : memref<204800xi32, #tpu.memory_space<hbm>> -> memref<6400xi32, #tpu.memory_space<hbm>>
      %dma_wait3A_13 = tpu.memref_slice %arg3[%mul3A_2] : memref<204800xi32, #tpu.memory_space<hbm>> -> memref<6400xi32, #tpu.memory_space<hbm>>
      tpu.wait_dma2 semaphore(%run_scoped3A : memref<!tpu.dma_semaphore, #tpu.memory_space<semaphore_mem>>) src(%dma_wait3A_13 : memref<6400xi32, #tpu.memory_space<hbm>>) dst(%arg5 : memref<6400xi32, #tpu.memory_space<vmem>>)
      tpu.yield
    }) : () -> ()
    %dma_start3A = arith.constant 0 : i32
    %dma_start3A_3 = tpu.memref_slice %arg5[%dma_start3A] : memref<6400xi32, #tpu.memory_space<vmem>> -> memref<128xi32, #tpu.memory_space<vmem>>
    %dma_start3A_4 = arith.constant 0 : i32
    %dma_start3A_5 = arith.constant 0 : i32
    %dma_start3A_6 = tpu.memref_slice %arg2[%dma_start3A_4, %dma_start3A_5] : memref<500000x128xf32, #tpu.memory_space<hbm>> -> memref<500000x128xf32, #tpu.memory_space<hbm>>
    tpu.enqueue_indirect_dma source(%dma_start3A_6 : memref<500000x128xf32, #tpu.memory_space<hbm>>) target(%arg6 : memref<128x128xf32, #tpu.memory_space<vmem>>) offsets(%dma_start3A_3 : memref<128xi32, #tpu.memory_space<vmem>>) semaphore(%arg8 : memref<!tpu.dma_semaphore, #tpu.memory_space<semaphore_mem>>)
    %scan3A = arith.constant 0 : i32
    %scan3A_7 = arith.constant 25 : i32
    %scan3A_8 = arith.addi %scan3A, %scan3A_7 : i32
    %scan3A_9 = arith.constant 1 : i32
    scf.for %scan3A_11 = %scan3A to %scan3A_8 step %scan3A_9  : i32 {
      %mul3A_12 = arith.constant 1 : i32
      %mul3A_13 = arith.muli %scan3A_11, %mul3A_12 : i32
      %add3A_14 = arith.constant 0 : i32
      %add3A_15 = arith.addi %add3A_14, %mul3A_13 : i32
      %mul3A_16 = arith.constant 2 : i32
      %mul3A_17 = arith.muli %add3A_15, %mul3A_16 : i32
      %add3A_18 = arith.constant 1 : i32
      %add3A_19 = arith.addi %mul3A_17, %add3A_18 : i32
      %mul3A_20 = arith.constant 128 : i32
      %mul3A_21 = arith.muli %add3A_19, %mul3A_20 : i32
      %dma_start3A_22 = tpu.memref_slice %arg5[%mul3A_21] : memref<6400xi32, #tpu.memory_space<vmem>> -> memref<128xi32, #tpu.memory_space<vmem>>
      %dma_start3A_23 = arith.constant 0 : i32
      %dma_start3A_24 = arith.constant 0 : i32
      %dma_start3A_25 = tpu.memref_slice %arg2[%dma_start3A_23, %dma_start3A_24] : memref<500000x128xf32, #tpu.memory_space<hbm>> -> memref<500000x128xf32, #tpu.memory_space<hbm>>
      tpu.enqueue_indirect_dma source(%dma_start3A_25 : memref<500000x128xf32, #tpu.memory_space<hbm>>) target(%arg7 : memref<128x128xf32, #tpu.memory_space<vmem>>) offsets(%dma_start3A_22 : memref<128xi32, #tpu.memory_space<vmem>>) semaphore(%arg9 : memref<!tpu.dma_semaphore, #tpu.memory_space<semaphore_mem>>)
      %mul3A_26 = arith.constant 128 : i32
      %mul3A_27 = arith.muli %mul3A_17, %mul3A_26 : i32
      %dma_wait3A = tpu.memref_slice %arg5[%mul3A_27] : memref<6400xi32, #tpu.memory_space<vmem>> -> memref<128xi32, #tpu.memory_space<vmem>>
      %dma_wait3A_28 = arith.constant 0 : i32
      %dma_wait3A_29 = arith.constant 0 : i32
      %dma_wait3A_30 = tpu.memref_slice %arg2[%dma_wait3A_28, %dma_wait3A_29] : memref<500000x128xf32, #tpu.memory_space<hbm>> -> memref<500000x128xf32, #tpu.memory_space<hbm>>
      tpu.wait_indirect_dma semaphore(%arg8 : memref<!tpu.dma_semaphore, #tpu.memory_space<semaphore_mem>>) src(%dma_wait3A_30 : memref<500000x128xf32, #tpu.memory_space<hbm>>) dst(%arg6 : memref<128x128xf32, #tpu.memory_space<vmem>>)
      %mul3A_31 = arith.constant 128 : i32
      %mul3A_32 = arith.muli %mul3A_17, %mul3A_31 : i32
      %add3A_33 = arith.addi %mul3A_2, %mul3A_32 : i32
      "tpu.region"() ({
        %run_scoped3A = tpu.sem_alloc : memref<!tpu.dma_semaphore, #tpu.memory_space<semaphore_mem>>
        %dma_start3A_51 = arith.constant 0 : i32
        %dma_start3A_52 = tpu.memref_slice %arg4[%add3A_33, %dma_start3A_51] : memref<204800x128xf32, #tpu.memory_space<hbm>> -> memref<128x128xf32, #tpu.memory_space<hbm>>
        %dma_start3A_53 = arith.constant 0 : i32
        %dma_start3A_54 = tpu.memref_slice %arg4[%add3A_33, %dma_start3A_53] : memref<204800x128xf32, #tpu.memory_space<hbm>> -> memref<128x128xf32, #tpu.memory_space<hbm>>
        tpu.enqueue_dma source(%arg6 : memref<128x128xf32, #tpu.memory_space<vmem>>) target(%dma_start3A_54 : memref<128x128xf32, #tpu.memory_space<hbm>>) target_semaphore(%run_scoped3A : memref<!tpu.dma_semaphore, #tpu.memory_space<semaphore_mem>>)
        %dma_wait3A_55 = arith.constant 0 : i32
        %dma_wait3A_56 = tpu.memref_slice %arg4[%add3A_33, %dma_wait3A_55] : memref<204800x128xf32, #tpu.memory_space<hbm>> -> memref<128x128xf32, #tpu.memory_space<hbm>>
        %dma_wait3A_57 = arith.constant 0 : i32
        %dma_wait3A_58 = tpu.memref_slice %arg4[%add3A_33, %dma_wait3A_57] : memref<204800x128xf32, #tpu.memory_space<hbm>> -> memref<128x128xf32, #tpu.memory_space<hbm>>
        tpu.wait_dma2 semaphore(%run_scoped3A : memref<!tpu.dma_semaphore, #tpu.memory_space<semaphore_mem>>) src(%arg6 : memref<128x128xf32, #tpu.memory_space<vmem>>) dst(%dma_wait3A_58 : memref<128x128xf32, #tpu.memory_space<hbm>>)
        tpu.yield
      }) : () -> ()
      %add3A_34 = arith.constant 2 : i32
      %add3A_35 = arith.addi %mul3A_17, %add3A_34 : i32
      %lt3A = arith.constant 50 : i32
      %lt3A_36 = arith.cmpi slt, %add3A_35, %lt3A : i32
      %convert_element_type3A = arith.extui %lt3A_36 : i1 to i32
      %cond3A = arith.constant 0 : i32
      %cond3A_37 = arith.cmpi ne, %convert_element_type3A, %cond3A : i32
      scf.if %cond3A_37 {
        %add3A_51 = arith.constant 2 : i32
        %add3A_52 = arith.addi %mul3A_17, %add3A_51 : i32
        %mul3A_53 = arith.constant 128 : i32
        %mul3A_54 = arith.muli %add3A_52, %mul3A_53 : i32
        %dma_start3A_55 = tpu.memref_slice %arg5[%mul3A_54] : memref<6400xi32, #tpu.memory_space<vmem>> -> memref<128xi32, #tpu.memory_space<vmem>>
        %dma_start3A_56 = arith.constant 0 : i32
        %dma_start3A_57 = arith.constant 0 : i32
        %dma_start3A_58 = tpu.memref_slice %arg2[%dma_start3A_56, %dma_start3A_57] : memref<500000x128xf32, #tpu.memory_space<hbm>> -> memref<500000x128xf32, #tpu.memory_space<hbm>>
        tpu.enqueue_indirect_dma source(%dma_start3A_58 : memref<500000x128xf32, #tpu.memory_space<hbm>>) target(%arg6 : memref<128x128xf32, #tpu.memory_space<vmem>>) offsets(%dma_start3A_55 : memref<128xi32, #tpu.memory_space<vmem>>) semaphore(%arg8 : memref<!tpu.dma_semaphore, #tpu.memory_space<semaphore_mem>>)
      } else {
      }
      %add3A_38 = arith.constant 1 : i32
      %add3A_39 = arith.addi %mul3A_17, %add3A_38 : i32
      %mul3A_40 = arith.constant 128 : i32
      %mul3A_41 = arith.muli %add3A_39, %mul3A_40 : i32
      %dma_wait3A_42 = tpu.memref_slice %arg5[%mul3A_41] : memref<6400xi32, #tpu.memory_space<vmem>> -> memref<128xi32, #tpu.memory_space<vmem>>
      %dma_wait3A_43 = arith.constant 0 : i32
      %dma_wait3A_44 = arith.constant 0 : i32
      %dma_wait3A_45 = tpu.memref_slice %arg2[%dma_wait3A_43, %dma_wait3A_44] : memref<500000x128xf32, #tpu.memory_space<hbm>> -> memref<500000x128xf32, #tpu.memory_space<hbm>>
      tpu.wait_indirect_dma semaphore(%arg9 : memref<!tpu.dma_semaphore, #tpu.memory_space<semaphore_mem>>) src(%dma_wait3A_45 : memref<500000x128xf32, #tpu.memory_space<hbm>>) dst(%arg7 : memref<128x128xf32, #tpu.memory_space<vmem>>)
      %add3A_46 = arith.constant 1 : i32
      %add3A_47 = arith.addi %mul3A_17, %add3A_46 : i32
      %mul3A_48 = arith.constant 128 : i32
      %mul3A_49 = arith.muli %add3A_47, %mul3A_48 : i32
      %add3A_50 = arith.addi %mul3A_2, %mul3A_49 : i32
      "tpu.region"() ({
        %run_scoped3A = tpu.sem_alloc : memref<!tpu.dma_semaphore, #tpu.memory_space<semaphore_mem>>
        %dma_start3A_51 = arith.constant 0 : i32
        %dma_start3A_52 = tpu.memref_slice %arg4[%add3A_50, %dma_start3A_51] : memref<204800x128xf32, #tpu.memory_space<hbm>> -> memref<128x128xf32, #tpu.memory_space<hbm>>
        %dma_start3A_53 = arith.constant 0 : i32
        %dma_start3A_54 = tpu.memref_slice %arg4[%add3A_50, %dma_start3A_53] : memref<204800x128xf32, #tpu.memory_space<hbm>> -> memref<128x128xf32, #tpu.memory_space<hbm>>
        tpu.enqueue_dma source(%arg7 : memref<128x128xf32, #tpu.memory_space<vmem>>) target(%dma_start3A_54 : memref<128x128xf32, #tpu.memory_space<hbm>>) target_semaphore(%run_scoped3A : memref<!tpu.dma_semaphore, #tpu.memory_space<semaphore_mem>>)
        %dma_wait3A_55 = arith.constant 0 : i32
        %dma_wait3A_56 = tpu.memref_slice %arg4[%add3A_50, %dma_wait3A_55] : memref<204800x128xf32, #tpu.memory_space<hbm>> -> memref<128x128xf32, #tpu.memory_space<hbm>>
        %dma_wait3A_57 = arith.constant 0 : i32
        %dma_wait3A_58 = tpu.memref_slice %arg4[%add3A_50, %dma_wait3A_57] : memref<204800x128xf32, #tpu.memory_space<hbm>> -> memref<128x128xf32, #tpu.memory_space<hbm>>
        tpu.wait_dma2 semaphore(%run_scoped3A : memref<!tpu.dma_semaphore, #tpu.memory_space<semaphore_mem>>) src(%arg7 : memref<128x128xf32, #tpu.memory_space<vmem>>) dst(%dma_wait3A_58 : memref<128x128xf32, #tpu.memory_space<hbm>>)
        tpu.yield
      }) : () -> ()
    }
    %scan3A_10 = arith.constant 25 : i32
    return
  }
}

#map = affine_map<(d0, d1) -> (0, 0)>
#map1 = affine_map<(d0, d1) -> (0)>
module attributes {stable_mosaic.version = 14 : i64} {
  func.func @gather_kernel(%arg0: i32, %arg1: i32, %arg2: memref<500000x128xf32, #tpu.memory_space<hbm>>, %arg3: memref<204800xi32, #tpu.memory_space<hbm>>, %arg4: memref<204800x128xf32, #tpu.memory_space<hbm>>, %arg5: memref<6400xi32, #tpu.memory_space<vmem>>, %arg6: memref<128x128xf32, #tpu.memory_space<vmem>>, %arg7: memref<128x128xf32, #tpu.memory_space<vmem>>, %arg8: memref<!tpu.dma_semaphore, #tpu.memory_space<semaphore_mem>>, %arg9: memref<!tpu.dma_semaphore, #tpu.memory_space<semaphore_mem>>) attributes {dimension_semantics = [#tpu.dimension_semantics<core_parallel>, #tpu.dimension_semantics<subcore_parallel>], iteration_bounds = array<i64: 2, 16>, scalar_prefetch = 0 : i64, scratch_operands = 5 : i64, tpu.core_type = #tpu.core_type<sc_vector_subcore>, window_params = [{transform_indices = #map}, {transform_indices = #map1}, {transform_indices = #map}]} {
    %mul3A = arith.constant 2 : i32
    %mul3A_0 = arith.muli %arg1, %mul3A : i32
    %add3A = arith.addi %mul3A_0, %arg0 : i32
    %mul3A_1 = arith.constant 6400 : i32
    %mul3A_2 = arith.muli %add3A, %mul3A_1 : i32
    "tpu.region"() ({
      %run_scoped3A = tpu.sem_alloc : memref<!tpu.dma_semaphore, #tpu.memory_space<semaphore_mem>>
      %dma_start3A_11 = tpu.memref_slice %arg3[%mul3A_2] : memref<204800xi32, #tpu.memory_space<hbm>> -> memref<6400xi32, #tpu.memory_space<hbm>>
      %dma_start3A_12 = tpu.memref_slice %arg3[%mul3A_2] : memref<204800xi32, #tpu.memory_space<hbm>> -> memref<6400xi32, #tpu.memory_space<hbm>>
      tpu.enqueue_dma source(%dma_start3A_12 : memref<6400xi32, #tpu.memory_space<hbm>>) target(%arg5 : memref<6400xi32, #tpu.memory_space<vmem>>) target_semaphore(%run_scoped3A : memref<!tpu.dma_semaphore, #tpu.memory_space<semaphore_mem>>)
      %dma_wait3A = tpu.memref_slice %arg3[%mul3A_2] : memref<204800xi32, #tpu.memory_space<hbm>> -> memref<6400xi32, #tpu.memory_space<hbm>>
      %dma_wait3A_13 = tpu.memref_slice %arg3[%mul3A_2] : memref<204800xi32, #tpu.memory_space<hbm>> -> memref<6400xi32, #tpu.memory_space<hbm>>
      tpu.wait_dma2 semaphore(%run_scoped3A : memref<!tpu.dma_semaphore, #tpu.memory_space<semaphore_mem>>) src(%dma_wait3A_13 : memref<6400xi32, #tpu.memory_space<hbm>>) dst(%arg5 : memref<6400xi32, #tpu.memory_space<vmem>>)
      tpu.yield
    }) : () -> ()
    %dma_start3A = arith.constant 0 : i32
    %dma_start3A_3 = tpu.memref_slice %arg5[%dma_start3A] : memref<6400xi32, #tpu.memory_space<vmem>> -> memref<128xi32, #tpu.memory_space<vmem>>
    %dma_start3A_4 = arith.constant 0 : i32
    %dma_start3A_5 = arith.constant 0 : i32
    %dma_start3A_6 = tpu.memref_slice %arg2[%dma_start3A_4, %dma_start3A_5] : memref<500000x128xf32, #tpu.memory_space<hbm>> -> memref<500000x128xf32, #tpu.memory_space<hbm>>
    tpu.enqueue_indirect_dma source(%dma_start3A_6 : memref<500000x128xf32, #tpu.memory_space<hbm>>) target(%arg6 : memref<128x128xf32, #tpu.memory_space<vmem>>) offsets(%dma_start3A_3 : memref<128xi32, #tpu.memory_space<vmem>>) semaphore(%arg8 : memref<!tpu.dma_semaphore, #tpu.memory_space<semaphore_mem>>)
    %scan3A = arith.constant 0 : i32
    %scan3A_7 = arith.constant 25 : i32
    %scan3A_8 = arith.addi %scan3A, %scan3A_7 : i32
    %scan3A_9 = arith.constant 1 : i32
    scf.for %scan3A_11 = %scan3A to %scan3A_8 step %scan3A_9  : i32 {
      %mul3A_12 = arith.constant 1 : i32
      %mul3A_13 = arith.muli %scan3A_11, %mul3A_12 : i32
      %add3A_14 = arith.constant 0 : i32
      %add3A_15 = arith.addi %add3A_14, %mul3A_13 : i32
      %mul3A_16 = arith.constant 2 : i32
      %mul3A_17 = arith.muli %add3A_15, %mul3A_16 : i32
      %add3A_18 = arith.constant 1 : i32
      %add3A_19 = arith.addi %mul3A_17, %add3A_18 : i32
      %mul3A_20 = arith.constant 128 : i32
      %mul3A_21 = arith.muli %add3A_19, %mul3A_20 : i32
      %dma_start3A_22 = tpu.memref_slice %arg5[%mul3A_21] : memref<6400xi32, #tpu.memory_space<vmem>> -> memref<128xi32, #tpu.memory_space<vmem>>
      %dma_start3A_23 = arith.constant 0 : i32
      %dma_start3A_24 = arith.constant 0 : i32
      %dma_start3A_25 = tpu.memref_slice %arg2[%dma_start3A_23, %dma_start3A_24] : memref<500000x128xf32, #tpu.memory_space<hbm>> -> memref<500000x128xf32, #tpu.memory_space<hbm>>
      tpu.enqueue_indirect_dma source(%dma_start3A_25 : memref<500000x128xf32, #tpu.memory_space<hbm>>) target(%arg7 : memref<128x128xf32, #tpu.memory_space<vmem>>) offsets(%dma_start3A_22 : memref<128xi32, #tpu.memory_space<vmem>>) semaphore(%arg9 : memref<!tpu.dma_semaphore, #tpu.memory_space<semaphore_mem>>)
      %mul3A_26 = arith.constant 128 : i32
      %mul3A_27 = arith.muli %mul3A_17, %mul3A_26 : i32
      %dma_wait3A = tpu.memref_slice %arg5[%mul3A_27] : memref<6400xi32, #tpu.memory_space<vmem>> -> memref<128xi32, #tpu.memory_space<vmem>>
      %dma_wait3A_28 = arith.constant 0 : i32
      %dma_wait3A_29 = arith.constant 0 : i32
      %dma_wait3A_30 = tpu.memref_slice %arg2[%dma_wait3A_28, %dma_wait3A_29] : memref<500000x128xf32, #tpu.memory_space<hbm>> -> memref<500000x128xf32, #tpu.memory_space<hbm>>
      tpu.wait_indirect_dma semaphore(%arg8 : memref<!tpu.dma_semaphore, #tpu.memory_space<semaphore_mem>>) src(%dma_wait3A_30 : memref<500000x128xf32, #tpu.memory_space<hbm>>) dst(%arg6 : memref<128x128xf32, #tpu.memory_space<vmem>>)
      %mul3A_31 = arith.constant 128 : i32
      %mul3A_32 = arith.muli %mul3A_17, %mul3A_31 : i32
      %add3A_33 = arith.addi %mul3A_2, %mul3A_32 : i32
      "tpu.region"() ({
        %run_scoped3A = tpu.sem_alloc : memref<!tpu.dma_semaphore, #tpu.memory_space<semaphore_mem>>
        %dma_start3A_51 = arith.constant 0 : i32
        %dma_start3A_52 = tpu.memref_slice %arg4[%add3A_33, %dma_start3A_51] : memref<204800x128xf32, #tpu.memory_space<hbm>> -> memref<128x128xf32, #tpu.memory_space<hbm>>
        %dma_start3A_53 = arith.constant 0 : i32
        %dma_start3A_54 = tpu.memref_slice %arg4[%add3A_33, %dma_start3A_53] : memref<204800x128xf32, #tpu.memory_space<hbm>> -> memref<128x128xf32, #tpu.memory_space<hbm>>
        tpu.enqueue_dma source(%arg6 : memref<128x128xf32, #tpu.memory_space<vmem>>) target(%dma_start3A_54 : memref<128x128xf32, #tpu.memory_space<hbm>>) target_semaphore(%run_scoped3A : memref<!tpu.dma_semaphore, #tpu.memory_space<semaphore_mem>>)
        %dma_wait3A_55 = arith.constant 0 : i32
        %dma_wait3A_56 = tpu.memref_slice %arg4[%add3A_33, %dma_wait3A_55] : memref<204800x128xf32, #tpu.memory_space<hbm>> -> memref<128x128xf32, #tpu.memory_space<hbm>>
        %dma_wait3A_57 = arith.constant 0 : i32
        %dma_wait3A_58 = tpu.memref_slice %arg4[%add3A_33, %dma_wait3A_57] : memref<204800x128xf32, #tpu.memory_space<hbm>> -> memref<128x128xf32, #tpu.memory_space<hbm>>
        tpu.wait_dma2 semaphore(%run_scoped3A : memref<!tpu.dma_semaphore, #tpu.memory_space<semaphore_mem>>) src(%arg6 : memref<128x128xf32, #tpu.memory_space<vmem>>) dst(%dma_wait3A_58 : memref<128x128xf32, #tpu.memory_space<hbm>>)
        tpu.yield
      }) : () -> ()
      %add3A_34 = arith.constant 2 : i32
      %add3A_35 = arith.addi %mul3A_17, %add3A_34 : i32
      %lt3A = arith.constant 50 : i32
      %lt3A_36 = arith.cmpi slt, %add3A_35, %lt3A : i32
      %convert_element_type3A = arith.extui %lt3A_36 : i1 to i32
      %cond3A = arith.constant 0 : i32
      %cond3A_37 = arith.cmpi ne, %convert_element_type3A, %cond3A : i32
      scf.if %cond3A_37 {
        %add3A_51 = arith.constant 2 : i32
        %add3A_52 = arith.addi %mul3A_17, %add3A_51 : i32
        %mul3A_53 = arith.constant 128 : i32
        %mul3A_54 = arith.muli %add3A_52, %mul3A_53 : i32
        %dma_start3A_55 = tpu.memref_slice %arg5[%mul3A_54] : memref<6400xi32, #tpu.memory_space<vmem>> -> memref<128xi32, #tpu.memory_space<vmem>>
        %dma_start3A_56 = arith.constant 0 : i32
        %dma_start3A_57 = arith.constant 0 : i32
        %dma_start3A_58 = tpu.memref_slice %arg2[%dma_start3A_56, %dma_start3A_57] : memref<500000x128xf32, #tpu.memory_space<hbm>> -> memref<500000x128xf32, #tpu.memory_space<hbm>>
        tpu.enqueue_indirect_dma source(%dma_start3A_58 : memref<500000x128xf32, #tpu.memory_space<hbm>>) target(%arg6 : memref<128x128xf32, #tpu.memory_space<vmem>>) offsets(%dma_start3A_55 : memref<128xi32, #tpu.memory_space<vmem>>) semaphore(%arg8 : memref<!tpu.dma_semaphore, #tpu.memory_space<semaphore_mem>>)
      } else {
      }
      %add3A_38 = arith.constant 1 : i32
      %add3A_39 = arith.addi %mul3A_17, %add3A_38 : i32
      %mul3A_40 = arith.constant 128 : i32
      %mul3A_41 = arith.muli %add3A_39, %mul3A_40 : i32
      %dma_wait3A_42 = tpu.memref_slice %arg5[%mul3A_41] : memref<6400xi32, #tpu.memory_space<vmem>> -> memref<128xi32, #tpu.memory_space<vmem>>
      %dma_wait3A_43 = arith.constant 0 : i32
      %dma_wait3A_44 = arith.constant 0 : i32
      %dma_wait3A_45 = tpu.memref_slice %arg2[%dma_wait3A_43, %dma_wait3A_44] : memref<500000x128xf32, #tpu.memory_space<hbm>> -> memref<500000x128xf32, #tpu.memory_space<hbm>>
      tpu.wait_indirect_dma semaphore(%arg9 : memref<!tpu.dma_semaphore, #tpu.memory_space<semaphore_mem>>) src(%dma_wait3A_45 : memref<500000x128xf32, #tpu.memory_space<hbm>>) dst(%arg7 : memref<128x128xf32, #tpu.memory_space<vmem>>)
      %add3A_46 = arith.constant 1 : i32
      %add3A_47 = arith.addi %mul3A_17, %add3A_46 : i32
      %mul3A_48 = arith.constant 128 : i32
      %mul3A_49 = arith.muli %add3A_47, %mul3A_48 : i32
      %add3A_50 = arith.addi %mul3A_2, %mul3A_49 : i32
      "tpu.region"() ({
        %run_scoped3A = tpu.sem_alloc : memref<!tpu.dma_semaphore, #tpu.memory_space<semaphore_mem>>
        %dma_start3A_51 = arith.constant 0 : i32
        %dma_start3A_52 = tpu.memref_slice %arg4[%add3A_50, %dma_start3A_51] : memref<204800x128xf32, #tpu.memory_space<hbm>> -> memref<128x128xf32, #tpu.memory_space<hbm>>
        %dma_start3A_53 = arith.constant 0 : i32
        %dma_start3A_54 = tpu.memref_slice %arg4[%add3A_50, %dma_start3A_53] : memref<204800x128xf32, #tpu.memory_space<hbm>> -> memref<128x128xf32, #tpu.memory_space<hbm>>
        tpu.enqueue_dma source(%arg7 : memref<128x128xf32, #tpu.memory_space<vmem>>) target(%dma_start3A_54 : memref<128x128xf32, #tpu.memory_space<hbm>>) target_semaphore(%run_scoped3A : memref<!tpu.dma_semaphore, #tpu.memory_space<semaphore_mem>>)
        %dma_wait3A_55 = arith.constant 0 : i32
        %dma_wait3A_56 = tpu.memref_slice %arg4[%add3A_50, %dma_wait3A_55] : memref<204800x128xf32, #tpu.memory_space<hbm>> -> memref<128x128xf32, #tpu.memory_space<hbm>>
        %dma_wait3A_57 = arith.constant 0 : i32
        %dma_wait3A_58 = tpu.memref_slice %arg4[%add3A_50, %dma_wait3A_57] : memref<204800x128xf32, #tpu.memory_space<hbm>> -> memref<128x128xf32, #tpu.memory_space<hbm>>
        tpu.wait_dma2 semaphore(%run_scoped3A : memref<!tpu.dma_semaphore, #tpu.memory_space<semaphore_mem>>) src(%arg7 : memref<128x128xf32, #tpu.memory_space<vmem>>) dst(%dma_wait3A_58 : memref<128x128xf32, #tpu.memory_space<hbm>>)
        tpu.yield
      }) : () -> ()
    }
    %scan3A_10 = arith.constant 25 : i32
    return
  }
}

module attributes {stable_mosaic.version = 14 : i64} {
  func.func @_mm_body(%arg0: i32, %arg1: memref<204800x128xf32, #tpu.memory_space<hbm>>, %arg2: memref<16x128xi32, #tpu.memory_space<vmem>>, %arg3: memref<128x256xf32, #tpu.memory_space<vmem>>, %arg4: memref<1x256xf32, #tpu.memory_space<vmem>>, %arg5: memref<2048x256xf32, #tpu.memory_space<vmem>>, %arg6: memref<2x2048x128xf32, #tpu.memory_space<vmem>>, %arg7: memref<!tpu.dma_semaphore, #tpu.memory_space<semaphore_mem>>, %arg8: memref<!tpu.dma_semaphore, #tpu.memory_space<semaphore_mem>>) attributes {dimension_semantics = [#tpu.dimension_semantics<arbitrary>], iteration_bounds = array<i64: 100>, scalar_prefetch = 0 : i64, scratch_operands = 3 : i64, tpu.core_type = #tpu.core_type<tc>, window_params = [{}, {transform_indices = @transform_1, window_bounds = array<i64: 16, 128>}, {pipeline_mode = #tpu.pipeline_mode<synchronous>, transform_indices = @transform_2, window_bounds = array<i64: 128, 256>}, {pipeline_mode = #tpu.pipeline_mode<synchronous>, transform_indices = @transform_3, window_bounds = array<i64: 1, 256>}, {transform_indices = @transform_4, window_bounds = array<i64: 2048, 256>}]} {
    %rem3A = arith.constant 2 : i32
    %rem3A_0 = arith.remsi %arg0, %rem3A : i32
    %eq3A = arith.constant 0 : i32
    %eq3A_1 = arith.cmpi eq, %arg0, %eq3A : i32
    %convert_element_type3A = arith.extui %eq3A_1 : i1 to i32
    %cond3A = arith.constant 0 : i32
    %cond3A_2 = arith.cmpi ne, %convert_element_type3A, %cond3A : i32
    scf.if %cond3A_2 {
      %dma_start3A = arith.constant 0 : i32
      %dma_start3A_152 = arith.constant 0 : i32
      %dma_start3A_153 = arith.constant 0 : i32
      %dma_start3A_154 = tpu.memref_slice %arg6[%dma_start3A, %dma_start3A_152, %dma_start3A_153] : memref<2x2048x128xf32, #tpu.memory_space<vmem>> -> memref<1x2048x128xf32, #tpu.memory_space<vmem>>
      %dma_start3A_155 = tpu.memref_squeeze %dma_start3A_154 : memref<1x2048x128xf32, #tpu.memory_space<vmem>> -> memref<2048x128xf32, #tpu.memory_space<vmem>>
      %dma_start3A_156 = arith.constant 0 : i32
      %dma_start3A_157 = arith.constant 0 : i32
      %dma_start3A_158 = tpu.memref_slice %arg1[%dma_start3A_156, %dma_start3A_157] : memref<204800x128xf32, #tpu.memory_space<hbm>> -> memref<2048x128xf32, #tpu.memory_space<hbm>>
      tpu.enqueue_dma source(%dma_start3A_158 : memref<2048x128xf32, #tpu.memory_space<hbm>>) target(%dma_start3A_155 : memref<2048x128xf32, #tpu.memory_space<vmem>>) target_semaphore(%arg7 : memref<!tpu.dma_semaphore, #tpu.memory_space<semaphore_mem>>)
    } else {
    }
    %add3A = arith.constant 1 : i32
    %add3A_3 = arith.addi %arg0, %add3A : i32
    %lt3A = arith.constant 100 : i32
    %lt3A_4 = arith.cmpi slt, %add3A_3, %lt3A : i32
    %eq3A_5 = arith.constant 0 : i32
    %eq3A_6 = arith.cmpi eq, %rem3A_0, %eq3A_5 : i32
    %and3A = arith.andi %lt3A_4, %eq3A_6 : i1
    %convert_element_type3A_7 = arith.extui %and3A : i1 to i32
    %cond3A_8 = arith.constant 0 : i32
    %cond3A_9 = arith.cmpi ne, %convert_element_type3A_7, %cond3A_8 : i32
    scf.if %cond3A_9 {
      %add3A_152 = arith.constant 1 : i32
      %add3A_153 = arith.addi %arg0, %add3A_152 : i32
      %mul3A_154 = arith.constant 2048 : i32
      %mul3A_155 = arith.muli %add3A_153, %mul3A_154 : i32
      %dma_start3A = arith.constant 1 : i32
      %dma_start3A_156 = arith.constant 0 : i32
      %dma_start3A_157 = arith.constant 0 : i32
      %dma_start3A_158 = tpu.memref_slice %arg6[%dma_start3A, %dma_start3A_156, %dma_start3A_157] : memref<2x2048x128xf32, #tpu.memory_space<vmem>> -> memref<1x2048x128xf32, #tpu.memory_space<vmem>>
      %dma_start3A_159 = tpu.memref_squeeze %dma_start3A_158 : memref<1x2048x128xf32, #tpu.memory_space<vmem>> -> memref<2048x128xf32, #tpu.memory_space<vmem>>
      %dma_start3A_160 = arith.constant 0 : i32
      %dma_start3A_161 = tpu.memref_slice %arg1[%mul3A_155, %dma_start3A_160] : memref<204800x128xf32, #tpu.memory_space<hbm>> -> memref<2048x128xf32, #tpu.memory_space<hbm>>
      tpu.enqueue_dma source(%dma_start3A_161 : memref<2048x128xf32, #tpu.memory_space<hbm>>) target(%dma_start3A_159 : memref<2048x128xf32, #tpu.memory_space<vmem>>) target_semaphore(%arg8 : memref<!tpu.dma_semaphore, #tpu.memory_space<semaphore_mem>>)
    } else {
    }
    %add3A_10 = arith.constant 1 : i32
    %add3A_11 = arith.addi %arg0, %add3A_10 : i32
    %lt3A_12 = arith.constant 100 : i32
    %lt3A_13 = arith.cmpi slt, %add3A_11, %lt3A_12 : i32
    %eq3A_14 = arith.constant 1 : i32
    %eq3A_15 = arith.cmpi eq, %rem3A_0, %eq3A_14 : i32
    %and3A_16 = arith.andi %lt3A_13, %eq3A_15 : i1
    %convert_element_type3A_17 = arith.extui %and3A_16 : i1 to i32
    %cond3A_18 = arith.constant 0 : i32
    %cond3A_19 = arith.cmpi ne, %convert_element_type3A_17, %cond3A_18 : i32
    scf.if %cond3A_19 {
      %add3A_152 = arith.constant 1 : i32
      %add3A_153 = arith.addi %arg0, %add3A_152 : i32
      %mul3A_154 = arith.constant 2048 : i32
      %mul3A_155 = arith.muli %add3A_153, %mul3A_154 : i32
      %dma_start3A = arith.constant 0 : i32
      %dma_start3A_156 = arith.constant 0 : i32
      %dma_start3A_157 = arith.constant 0 : i32
      %dma_start3A_158 = tpu.memref_slice %arg6[%dma_start3A, %dma_start3A_156, %dma_start3A_157] : memref<2x2048x128xf32, #tpu.memory_space<vmem>> -> memref<1x2048x128xf32, #tpu.memory_space<vmem>>
      %dma_start3A_159 = tpu.memref_squeeze %dma_start3A_158 : memref<1x2048x128xf32, #tpu.memory_space<vmem>> -> memref<2048x128xf32, #tpu.memory_space<vmem>>
      %dma_start3A_160 = arith.constant 0 : i32
      %dma_start3A_161 = tpu.memref_slice %arg1[%mul3A_155, %dma_start3A_160] : memref<204800x128xf32, #tpu.memory_space<hbm>> -> memref<2048x128xf32, #tpu.memory_space<hbm>>
      tpu.enqueue_dma source(%dma_start3A_161 : memref<2048x128xf32, #tpu.memory_space<hbm>>) target(%dma_start3A_159 : memref<2048x128xf32, #tpu.memory_space<vmem>>) target_semaphore(%arg7 : memref<!tpu.dma_semaphore, #tpu.memory_space<semaphore_mem>>)
    } else {
    }
    %eq3A_20 = arith.constant 0 : i32
    %eq3A_21 = arith.cmpi eq, %rem3A_0, %eq3A_20 : i32
    %convert_element_type3A_22 = arith.extui %eq3A_21 : i1 to i32
    %cond3A_23 = arith.constant 0 : i32
    %cond3A_24 = arith.cmpi ne, %convert_element_type3A_22, %cond3A_23 : i32
    scf.if %cond3A_24 {
      %mul3A_152 = arith.constant 2048 : i32
      %mul3A_153 = arith.muli %arg0, %mul3A_152 : i32
      %dma_wait3A = arith.constant 0 : i32
      %dma_wait3A_154 = arith.constant 0 : i32
      %dma_wait3A_155 = arith.constant 0 : i32
      %dma_wait3A_156 = tpu.memref_slice %arg6[%dma_wait3A, %dma_wait3A_154, %dma_wait3A_155] : memref<2x2048x128xf32, #tpu.memory_space<vmem>> -> memref<1x2048x128xf32, #tpu.memory_space<vmem>>
      %dma_wait3A_157 = tpu.memref_squeeze %dma_wait3A_156 : memref<1x2048x128xf32, #tpu.memory_space<vmem>> -> memref<2048x128xf32, #tpu.memory_space<vmem>>
      %dma_wait3A_158 = arith.constant 0 : i32
      %dma_wait3A_159 = tpu.memref_slice %arg1[%mul3A_153, %dma_wait3A_158] : memref<204800x128xf32, #tpu.memory_space<hbm>> -> memref<2048x128xf32, #tpu.memory_space<hbm>>
      tpu.wait_dma2 semaphore(%arg7 : memref<!tpu.dma_semaphore, #tpu.memory_space<semaphore_mem>>) src(%dma_wait3A_159 : memref<2048x128xf32, #tpu.memory_space<hbm>>) dst(%dma_wait3A_157 : memref<2048x128xf32, #tpu.memory_space<vmem>>)
    } else {
    }
    %eq3A_25 = arith.constant 1 : i32
    %eq3A_26 = arith.cmpi eq, %rem3A_0, %eq3A_25 : i32
    %convert_element_type3A_27 = arith.extui %eq3A_26 : i1 to i32
    %cond3A_28 = arith.constant 0 : i32
    %cond3A_29 = arith.cmpi ne, %convert_element_type3A_27, %cond3A_28 : i32
    scf.if %cond3A_29 {
      %mul3A_152 = arith.constant 2048 : i32
      %mul3A_153 = arith.muli %arg0, %mul3A_152 : i32
      %dma_wait3A = arith.constant 1 : i32
      %dma_wait3A_154 = arith.constant 0 : i32
      %dma_wait3A_155 = arith.constant 0 : i32
      %dma_wait3A_156 = tpu.memref_slice %arg6[%dma_wait3A, %dma_wait3A_154, %dma_wait3A_155] : memref<2x2048x128xf32, #tpu.memory_space<vmem>> -> memref<1x2048x128xf32, #tpu.memory_space<vmem>>
      %dma_wait3A_157 = tpu.memref_squeeze %dma_wait3A_156 : memref<1x2048x128xf32, #tpu.memory_space<vmem>> -> memref<2048x128xf32, #tpu.memory_space<vmem>>
      %dma_wait3A_158 = arith.constant 0 : i32
      %dma_wait3A_159 = tpu.memref_slice %arg1[%mul3A_153, %dma_wait3A_158] : memref<204800x128xf32, #tpu.memory_space<hbm>> -> memref<2048x128xf32, #tpu.memory_space<hbm>>
      tpu.wait_dma2 semaphore(%arg8 : memref<!tpu.dma_semaphore, #tpu.memory_space<semaphore_mem>>) src(%dma_wait3A_159 : memref<2048x128xf32, #tpu.memory_space<hbm>>) dst(%dma_wait3A_157 : memref<2048x128xf32, #tpu.memory_space<vmem>>)
    } else {
    }
    %get3A = arith.index_cast %rem3A_0 : i32 to index
    %get3A_30 = arith.constant 0 : index
    %get3A_31 = arith.constant 0 : index
    %get3A_32 = vector.load %arg6[%get3A, %get3A_30, %get3A_31] : memref<2x2048x128xf32, #tpu.memory_space<vmem>>, vector<1x2048x128xf32>
    %get3A_33 = vector.shape_cast %get3A_32 : vector<1x2048x128xf32> to vector<2048x128xf32>
    %get3A_34 = arith.constant 0 : index
    %get3A_35 = arith.constant 0 : index
    %get3A_36 = vector.load %arg2[%get3A_34, %get3A_35] : memref<16x128xi32, #tpu.memory_space<vmem>>, vector<16x128xi32>
    %and3A_37 = arith.constant 1 : i32
    %and3A_38 = vector.broadcast %and3A_37 : i32 to vector<16x128xi32>
    %and3A_39 = arith.andi %get3A_36, %and3A_38 : vector<16x128xi32>
    %convert_element_type3A_40 = arith.sitofp %and3A_39 : vector<16x128xi32> to vector<16x128xf32>
    %iota3A = tpu.iota {dimensions = array<i32: 0>} : vector<2048x16xi32>
    %jit3A = arith.constant 128 : i32
    %div3A = vector.broadcast %jit3A : i32 to vector<2048x16xi32>
    %div3A_41 = arith.divsi %iota3A, %div3A : vector<2048x16xi32>
    %sign3A = arith.constant 0 : i32
    %sign3A_42 = vector.broadcast %sign3A : i32 to vector<2048x16xi32>
    %sign3A_43 = arith.cmpi sgt, %iota3A, %sign3A_42 : vector<2048x16xi32>
    %sign3A_44 = arith.extui %sign3A_43 : vector<2048x16xi1> to vector<2048x16xi32>
    %sign3A_45 = arith.constant 0 : i32
    %sign3A_46 = vector.broadcast %sign3A_45 : i32 to vector<2048x16xi32>
    %sign3A_47 = arith.cmpi slt, %iota3A, %sign3A_46 : vector<2048x16xi32>
    %sign3A_48 = arith.extui %sign3A_47 : vector<2048x16xi1> to vector<2048x16xi32>
    %sign3A_49 = arith.subi %sign3A_44, %sign3A_48 : vector<2048x16xi32>
    %sign3A_50 = arith.constant 0 : i32
    %sign3A_51 = arith.cmpi sgt, %jit3A, %sign3A_50 : i32
    %sign3A_52 = arith.extui %sign3A_51 : i1 to i32
    %sign3A_53 = arith.constant 0 : i32
    %sign3A_54 = arith.cmpi slt, %jit3A, %sign3A_53 : i32
    %sign3A_55 = arith.extui %sign3A_54 : i1 to i32
    %sign3A_56 = arith.subi %sign3A_52, %sign3A_55 : i32
    %ne3A = vector.broadcast %sign3A_56 : i32 to vector<2048x16xi32>
    %ne3A_57 = arith.cmpi ne, %sign3A_49, %ne3A : vector<2048x16xi32>
    %rem3A_58 = vector.broadcast %jit3A : i32 to vector<2048x16xi32>
    %rem3A_59 = arith.remsi %iota3A, %rem3A_58 : vector<2048x16xi32>
    %ne3A_60 = arith.constant 0 : i32
    %ne3A_61 = vector.broadcast %ne3A_60 : i32 to vector<2048x16xi32>
    %ne3A_62 = arith.cmpi ne, %rem3A_59, %ne3A_61 : vector<2048x16xi32>
    %and3A_63 = arith.andi %ne3A_57, %ne3A_62 : vector<2048x16xi1>
    %sub3A = arith.constant 1 : i32
    %sub3A_64 = vector.broadcast %sub3A : i32 to vector<2048x16xi32>
    %sub3A_65 = arith.subi %div3A_41, %sub3A_64 : vector<2048x16xi32>
    %select_n3A = arith.select %and3A_63, %sub3A_65, %div3A_41 : vector<2048x16xi1>, vector<2048x16xi32>
    %iota3A_66 = tpu.iota {dimensions = array<i32: 1>} : vector<2048x16xi32>
    %eq3A_67 = arith.cmpi eq, %select_n3A, %iota3A_66 : vector<2048x16xi32>
    %convert_element_type3A_68 = arith.extui %eq3A_67 : vector<2048x16xi1> to vector<2048x16xi32>
    %convert_element_type3A_69 = arith.sitofp %convert_element_type3A_68 : vector<2048x16xi32> to vector<2048x16xf32>
    %dot_general3A = arith.constant dense<0.000000e+00> : vector<2048x128xf32>
    %dot_general3A_70 = tpu.matmul %convert_element_type3A_69, %convert_element_type3A_40, %dot_general3A {dimension_numbers = #tpu.dot_dimension_numbers<[1], [0], [0], [1], [0, 0, 1, 1], [], []>, transpose_lhs_hint = false} : vector<2048x16xf32>, vector<16x128xf32>, vector<2048x128xf32> -> vector<2048x128xf32>
    %iota3A_71 = tpu.iota {dimensions = array<i32: 0>} : vector<2048x128xi32>
    %jit3A_72 = arith.constant 128 : i32
    %eq3A_73 = arith.constant 0 : i32
    %eq3A_74 = arith.cmpi eq, %jit3A_72, %eq3A_73 : i32
    %jit3A_75 = arith.constant 1 : i32
    %select_n3A_76 = arith.select %eq3A_74, %jit3A_75, %jit3A_72 : i32
    %rem3A_77 = vector.broadcast %select_n3A_76 : i32 to vector<2048x128xi32>
    %rem3A_78 = arith.remsi %iota3A_71, %rem3A_77 : vector<2048x128xi32>
    %ne3A_79 = arith.constant 0 : i32
    %ne3A_80 = vector.broadcast %ne3A_79 : i32 to vector<2048x128xi32>
    %ne3A_81 = arith.cmpi ne, %rem3A_78, %ne3A_80 : vector<2048x128xi32>
    %lt3A_82 = arith.constant 0 : i32
    %lt3A_83 = vector.broadcast %lt3A_82 : i32 to vector<2048x128xi32>
    %lt3A_84 = arith.cmpi slt, %rem3A_78, %lt3A_83 : vector<2048x128xi32>
    %lt3A_85 = arith.constant 0 : i32
    %lt3A_86 = arith.cmpi slt, %select_n3A_76, %lt3A_85 : i32
    %ne3A_87 = vector.broadcast %lt3A_86 : i1 to vector<2048x128xi1>
    %ne3A_88 = vector.broadcast %ne3A_87 : vector<2048x128xi1> to vector<2048x128xi1>
    %ne3A_89 = arith.xori %lt3A_84, %ne3A_88 : vector<2048x128xi1>
    %and3A_90 = arith.andi %ne3A_89, %ne3A_81 : vector<2048x128xi1>
    %add3A_91 = vector.broadcast %select_n3A_76 : i32 to vector<2048x128xi32>
    %add3A_92 = arith.addi %rem3A_78, %add3A_91 : vector<2048x128xi32>
    %select_n3A_93 = arith.select %and3A_90, %add3A_92, %rem3A_78 : vector<2048x128xi1>, vector<2048x128xi32>
    %iota3A_94 = tpu.iota {dimensions = array<i32: 1>} : vector<2048x128xi32>
    %eq3A_95 = arith.cmpi eq, %select_n3A_93, %iota3A_94 : vector<2048x128xi32>
    %jit3A_96 = arith.constant 0.000000e+00 : f32
    %broadcast_in_dim3A = vector.broadcast %jit3A_96 : f32 to vector<2048x128xf32>
    %select_n3A_97 = arith.select %eq3A_95, %dot_general3A_70, %broadcast_in_dim3A : vector<2048x128xi1>, vector<2048x128xf32>
    %reduce_sum3A = arith.constant dense<0.000000e+00> : vector<2048xf32>
    %reduce_sum3A_98 = vector.multi_reduction <add>, %select_n3A_97, %reduce_sum3A [1] : vector<2048x128xf32> to vector<2048xf32>
    %broadcast_in_dim3A_99 = vector.shape_cast %reduce_sum3A_98 : vector<2048xf32> to vector<2048x1xf32>
    %iota3A_100 = tpu.iota {dimensions = array<i32: 1>} : vector<2048x128xi32>
    %jit3A_101 = arith.constant 64 : i32
    %div3A_102 = vector.broadcast %jit3A_101 : i32 to vector<2048x128xi32>
    %div3A_103 = arith.divsi %iota3A_100, %div3A_102 : vector<2048x128xi32>
    %sign3A_104 = arith.constant 0 : i32
    %sign3A_105 = vector.broadcast %sign3A_104 : i32 to vector<2048x128xi32>
    %sign3A_106 = arith.cmpi sgt, %iota3A_100, %sign3A_105 : vector<2048x128xi32>
    %sign3A_107 = arith.extui %sign3A_106 : vector<2048x128xi1> to vector<2048x128xi32>
    %sign3A_108 = arith.constant 0 : i32
    %sign3A_109 = vector.broadcast %sign3A_108 : i32 to vector<2048x128xi32>
    %sign3A_110 = arith.cmpi slt, %iota3A_100, %sign3A_109 : vector<2048x128xi32>
    %sign3A_111 = arith.extui %sign3A_110 : vector<2048x128xi1> to vector<2048x128xi32>
    %sign3A_112 = arith.subi %sign3A_107, %sign3A_111 : vector<2048x128xi32>
    %sign3A_113 = arith.constant 0 : i32
    %sign3A_114 = arith.cmpi sgt, %jit3A_101, %sign3A_113 : i32
    %sign3A_115 = arith.extui %sign3A_114 : i1 to i32
    %sign3A_116 = arith.constant 0 : i32
    %sign3A_117 = arith.cmpi slt, %jit3A_101, %sign3A_116 : i32
    %sign3A_118 = arith.extui %sign3A_117 : i1 to i32
    %sign3A_119 = arith.subi %sign3A_115, %sign3A_118 : i32
    %ne3A_120 = vector.broadcast %sign3A_119 : i32 to vector<2048x128xi32>
    %ne3A_121 = arith.cmpi ne, %sign3A_112, %ne3A_120 : vector<2048x128xi32>
    %rem3A_122 = vector.broadcast %jit3A_101 : i32 to vector<2048x128xi32>
    %rem3A_123 = arith.remsi %iota3A_100, %rem3A_122 : vector<2048x128xi32>
    %ne3A_124 = arith.constant 0 : i32
    %ne3A_125 = vector.broadcast %ne3A_124 : i32 to vector<2048x128xi32>
    %ne3A_126 = arith.cmpi ne, %rem3A_123, %ne3A_125 : vector<2048x128xi32>
    %and3A_127 = arith.andi %ne3A_121, %ne3A_126 : vector<2048x128xi1>
    %sub3A_128 = arith.constant 1 : i32
    %sub3A_129 = vector.broadcast %sub3A_128 : i32 to vector<2048x128xi32>
    %sub3A_130 = arith.subi %div3A_103, %sub3A_129 : vector<2048x128xi32>
    %select_n3A_131 = arith.select %and3A_127, %sub3A_130, %div3A_103 : vector<2048x128xi1>, vector<2048x128xi32>
    %convert_element_type3A_132 = arith.sitofp %select_n3A_131 : vector<2048x128xi32> to vector<2048x128xf32>
    %eq3A_133 = vector.broadcast %broadcast_in_dim3A_99 : vector<2048x1xf32> to vector<2048x128xf32>
    %eq3A_134 = arith.cmpf oeq, %convert_element_type3A_132, %eq3A_133 : vector<2048x128xf32>
    %jit3A_135 = arith.constant 0.000000e+00 : f32
    %broadcast_in_dim3A_136 = vector.broadcast %jit3A_135 : f32 to vector<2048x128xf32>
    %select_n3A_137 = arith.select %eq3A_134, %get3A_33, %broadcast_in_dim3A_136 : vector<2048x128xi1>, vector<2048x128xf32>
    %get3A_138 = arith.constant 0 : index
    %get3A_139 = arith.constant 0 : index
    %get3A_140 = vector.load %arg3[%get3A_138, %get3A_139] : memref<128x256xf32, #tpu.memory_space<vmem>>, vector<128x256xf32>
    %dot_general3A_141 = arith.constant dense<0.000000e+00> : vector<2048x256xf32>
    %dot_general3A_142 = tpu.matmul %select_n3A_137, %get3A_140, %dot_general3A_141 {dimension_numbers = #tpu.dot_dimension_numbers<[1], [0], [0], [1], [0, 0, 1, 1], [], []>, transpose_lhs_hint = false} : vector<2048x128xf32>, vector<128x256xf32>, vector<2048x256xf32> -> vector<2048x256xf32>
    %get3A_143 = arith.constant 0 : index
    %get3A_144 = arith.constant 0 : index
    %get3A_145 = vector.load %arg4[%get3A_143, %get3A_144] : memref<1x256xf32, #tpu.memory_space<vmem>>, vector<1x256xf32>
    %add3A_146 = vector.broadcast %get3A_145 : vector<1x256xf32> to vector<2048x256xf32>
    %add3A_147 = arith.addf %dot_general3A_142, %add3A_146 : vector<2048x256xf32>
    %mul3A = arith.constant 1.600000e+01 : f32
    %mul3A_148 = vector.broadcast %mul3A : f32 to vector<2048x256xf32>
    %mul3A_149 = arith.mulf %add3A_147, %mul3A_148 : vector<2048x256xf32>
    %swap3A = arith.constant 0 : index
    %swap3A_150 = arith.constant 0 : index
    %swap3A_151 = vector.load %arg5[%swap3A, %swap3A_150] : memref<2048x256xf32, #tpu.memory_space<vmem>>, vector<2048x256xf32>
    tpu.vector_store %arg5[%swap3A, %swap3A_150], %mul3A_149 {strides = array<i32>} : memref<2048x256xf32, #tpu.memory_space<vmem>>, vector<2048x256xf32>,
    return
  }
  func.func @transform_1(%arg0: i32) -> (i32, i32) {
    %c0_i32 = arith.constant 0 : i32
    %c0_i32_0 = arith.constant 0 : i32
    return %arg0, %c0_i32 : i32, i32
  }
  func.func @transform_2(%arg0: i32) -> (i32, i32) {
    %c0_i32 = arith.constant 0 : i32
    %c0_i32_0 = arith.constant 0 : i32
    %c0_i32_1 = arith.constant 0 : i32
    return %c0_i32, %c0_i32_0 : i32, i32
  }
  func.func @transform_3(%arg0: i32) -> (i32, i32) {
    %c0_i32 = arith.constant 0 : i32
    %c0_i32_0 = arith.constant 0 : i32
    %c0_i32_1 = arith.constant 0 : i32
    return %c0_i32, %c0_i32_0 : i32, i32
  }
  func.func @transform_4(%arg0: i32) -> (i32, i32) {
    %add3A = arith.constant 0 : i32
    %add3A_0 = arith.addi %arg0, %add3A : i32
    %c0_i32 = arith.constant 0 : i32
    %c0_i32_1 = arith.constant 0 : i32
    return %add3A_0, %c0_i32 : i32, i32
  }
}

module attributes {stable_mosaic.version = 14 : i64} {
  func.func @body(%arg0: i32, %arg1: memref<204800x128xf32, #tpu.memory_space<hbm>>, %arg2: memref<16x128xi32, #tpu.memory_space<vmem>>, %arg3: memref<128x256xf32, #tpu.memory_space<vmem>>, %arg4: memref<1x256xf32, #tpu.memory_space<vmem>>, %arg5: memref<819200x256xf32, #tpu.memory_space<hbm>>, %arg6: memref<2048x256xf32, #tpu.memory_space<vmem>>, %arg7: memref<2x2048x128xf32, #tpu.memory_space<vmem>>, %arg8: memref<!tpu.dma_semaphore, #tpu.memory_space<semaphore_mem>>, %arg9: memref<!tpu.dma_semaphore, #tpu.memory_space<semaphore_mem>>) attributes {dimension_semantics = [#tpu.dimension_semantics<arbitrary>], iteration_bounds = array<i64: 100>, scalar_prefetch = 0 : i64, scratch_operands = 3 : i64, tpu.core_type = #tpu.core_type<tc>, window_params = [{}, {transform_indices = @transform_1, window_bounds = array<i64: 16, 128>}, {pipeline_mode = #tpu.pipeline_mode<synchronous>, transform_indices = @transform_2, window_bounds = array<i64: 128, 256>}, {pipeline_mode = #tpu.pipeline_mode<synchronous>, transform_indices = @transform_3, window_bounds = array<i64: 1, 256>}, {}, {transform_indices = @transform_5, window_bounds = array<i64: 2048, 256>}]} {
    %rem3A = arith.constant 2 : i32
    %rem3A_0 = arith.remsi %arg0, %rem3A : i32
    %eq3A = arith.constant 0 : i32
    %eq3A_1 = arith.cmpi eq, %arg0, %eq3A : i32
    %convert_element_type3A = arith.extui %eq3A_1 : i1 to i32
    %cond3A = arith.constant 0 : i32
    %cond3A_2 = arith.cmpi ne, %convert_element_type3A, %cond3A : i32
    scf.if %cond3A_2 {
      %dma_start3A = arith.constant 0 : i32
      %dma_start3A_152 = arith.constant 0 : i32
      %dma_start3A_153 = arith.constant 0 : i32
      %dma_start3A_154 = tpu.memref_slice %arg7[%dma_start3A, %dma_start3A_152, %dma_start3A_153] : memref<2x2048x128xf32, #tpu.memory_space<vmem>> -> memref<1x2048x128xf32, #tpu.memory_space<vmem>>
      %dma_start3A_155 = tpu.memref_squeeze %dma_start3A_154 : memref<1x2048x128xf32, #tpu.memory_space<vmem>> -> memref<2048x128xf32, #tpu.memory_space<vmem>>
      %dma_start3A_156 = arith.constant 0 : i32
      %dma_start3A_157 = arith.constant 0 : i32
      %dma_start3A_158 = tpu.memref_slice %arg1[%dma_start3A_156, %dma_start3A_157] : memref<204800x128xf32, #tpu.memory_space<hbm>> -> memref<2048x128xf32, #tpu.memory_space<hbm>>
      tpu.enqueue_dma source(%dma_start3A_158 : memref<2048x128xf32, #tpu.memory_space<hbm>>) target(%dma_start3A_155 : memref<2048x128xf32, #tpu.memory_space<vmem>>) target_semaphore(%arg8 : memref<!tpu.dma_semaphore, #tpu.memory_space<semaphore_mem>>)
    } else {
    }
    %add3A = arith.constant 1 : i32
    %add3A_3 = arith.addi %arg0, %add3A : i32
    %lt3A = arith.constant 100 : i32
    %lt3A_4 = arith.cmpi slt, %add3A_3, %lt3A : i32
    %eq3A_5 = arith.constant 0 : i32
    %eq3A_6 = arith.cmpi eq, %rem3A_0, %eq3A_5 : i32
    %and3A = arith.andi %lt3A_4, %eq3A_6 : i1
    %convert_element_type3A_7 = arith.extui %and3A : i1 to i32
    %cond3A_8 = arith.constant 0 : i32
    %cond3A_9 = arith.cmpi ne, %convert_element_type3A_7, %cond3A_8 : i32
    scf.if %cond3A_9 {
      %add3A_152 = arith.constant 1 : i32
      %add3A_153 = arith.addi %arg0, %add3A_152 : i32
      %mul3A_154 = arith.constant 2048 : i32
      %mul3A_155 = arith.muli %add3A_153, %mul3A_154 : i32
      %dma_start3A = arith.constant 1 : i32
      %dma_start3A_156 = arith.constant 0 : i32
      %dma_start3A_157 = arith.constant 0 : i32
      %dma_start3A_158 = tpu.memref_slice %arg7[%dma_start3A, %dma_start3A_156, %dma_start3A_157] : memref<2x2048x128xf32, #tpu.memory_space<vmem>> -> memref<1x2048x128xf32, #tpu.memory_space<vmem>>
      %dma_start3A_159 = tpu.memref_squeeze %dma_start3A_158 : memref<1x2048x128xf32, #tpu.memory_space<vmem>> -> memref<2048x128xf32, #tpu.memory_space<vmem>>
      %dma_start3A_160 = arith.constant 0 : i32
      %dma_start3A_161 = tpu.memref_slice %arg1[%mul3A_155, %dma_start3A_160] : memref<204800x128xf32, #tpu.memory_space<hbm>> -> memref<2048x128xf32, #tpu.memory_space<hbm>>
      tpu.enqueue_dma source(%dma_start3A_161 : memref<2048x128xf32, #tpu.memory_space<hbm>>) target(%dma_start3A_159 : memref<2048x128xf32, #tpu.memory_space<vmem>>) target_semaphore(%arg9 : memref<!tpu.dma_semaphore, #tpu.memory_space<semaphore_mem>>)
    } else {
    }
    %add3A_10 = arith.constant 1 : i32
    %add3A_11 = arith.addi %arg0, %add3A_10 : i32
    %lt3A_12 = arith.constant 100 : i32
    %lt3A_13 = arith.cmpi slt, %add3A_11, %lt3A_12 : i32
    %eq3A_14 = arith.constant 1 : i32
    %eq3A_15 = arith.cmpi eq, %rem3A_0, %eq3A_14 : i32
    %and3A_16 = arith.andi %lt3A_13, %eq3A_15 : i1
    %convert_element_type3A_17 = arith.extui %and3A_16 : i1 to i32
    %cond3A_18 = arith.constant 0 : i32
    %cond3A_19 = arith.cmpi ne, %convert_element_type3A_17, %cond3A_18 : i32
    scf.if %cond3A_19 {
      %add3A_152 = arith.constant 1 : i32
      %add3A_153 = arith.addi %arg0, %add3A_152 : i32
      %mul3A_154 = arith.constant 2048 : i32
      %mul3A_155 = arith.muli %add3A_153, %mul3A_154 : i32
      %dma_start3A = arith.constant 0 : i32
      %dma_start3A_156 = arith.constant 0 : i32
      %dma_start3A_157 = arith.constant 0 : i32
      %dma_start3A_158 = tpu.memref_slice %arg7[%dma_start3A, %dma_start3A_156, %dma_start3A_157] : memref<2x2048x128xf32, #tpu.memory_space<vmem>> -> memref<1x2048x128xf32, #tpu.memory_space<vmem>>
      %dma_start3A_159 = tpu.memref_squeeze %dma_start3A_158 : memref<1x2048x128xf32, #tpu.memory_space<vmem>> -> memref<2048x128xf32, #tpu.memory_space<vmem>>
      %dma_start3A_160 = arith.constant 0 : i32
      %dma_start3A_161 = tpu.memref_slice %arg1[%mul3A_155, %dma_start3A_160] : memref<204800x128xf32, #tpu.memory_space<hbm>> -> memref<2048x128xf32, #tpu.memory_space<hbm>>
      tpu.enqueue_dma source(%dma_start3A_161 : memref<2048x128xf32, #tpu.memory_space<hbm>>) target(%dma_start3A_159 : memref<2048x128xf32, #tpu.memory_space<vmem>>) target_semaphore(%arg8 : memref<!tpu.dma_semaphore, #tpu.memory_space<semaphore_mem>>)
    } else {
    }
    %eq3A_20 = arith.constant 0 : i32
    %eq3A_21 = arith.cmpi eq, %rem3A_0, %eq3A_20 : i32
    %convert_element_type3A_22 = arith.extui %eq3A_21 : i1 to i32
    %cond3A_23 = arith.constant 0 : i32
    %cond3A_24 = arith.cmpi ne, %convert_element_type3A_22, %cond3A_23 : i32
    scf.if %cond3A_24 {
      %mul3A_152 = arith.constant 2048 : i32
      %mul3A_153 = arith.muli %arg0, %mul3A_152 : i32
      %dma_wait3A = arith.constant 0 : i32
      %dma_wait3A_154 = arith.constant 0 : i32
      %dma_wait3A_155 = arith.constant 0 : i32
      %dma_wait3A_156 = tpu.memref_slice %arg7[%dma_wait3A, %dma_wait3A_154, %dma_wait3A_155] : memref<2x2048x128xf32, #tpu.memory_space<vmem>> -> memref<1x2048x128xf32, #tpu.memory_space<vmem>>
      %dma_wait3A_157 = tpu.memref_squeeze %dma_wait3A_156 : memref<1x2048x128xf32, #tpu.memory_space<vmem>> -> memref<2048x128xf32, #tpu.memory_space<vmem>>
      %dma_wait3A_158 = arith.constant 0 : i32
      %dma_wait3A_159 = tpu.memref_slice %arg1[%mul3A_153, %dma_wait3A_158] : memref<204800x128xf32, #tpu.memory_space<hbm>> -> memref<2048x128xf32, #tpu.memory_space<hbm>>
      tpu.wait_dma2 semaphore(%arg8 : memref<!tpu.dma_semaphore, #tpu.memory_space<semaphore_mem>>) src(%dma_wait3A_159 : memref<2048x128xf32, #tpu.memory_space<hbm>>) dst(%dma_wait3A_157 : memref<2048x128xf32, #tpu.memory_space<vmem>>)
    } else {
    }
    %eq3A_25 = arith.constant 1 : i32
    %eq3A_26 = arith.cmpi eq, %rem3A_0, %eq3A_25 : i32
    %convert_element_type3A_27 = arith.extui %eq3A_26 : i1 to i32
    %cond3A_28 = arith.constant 0 : i32
    %cond3A_29 = arith.cmpi ne, %convert_element_type3A_27, %cond3A_28 : i32
    scf.if %cond3A_29 {
      %mul3A_152 = arith.constant 2048 : i32
      %mul3A_153 = arith.muli %arg0, %mul3A_152 : i32
      %dma_wait3A = arith.constant 1 : i32
      %dma_wait3A_154 = arith.constant 0 : i32
      %dma_wait3A_155 = arith.constant 0 : i32
      %dma_wait3A_156 = tpu.memref_slice %arg7[%dma_wait3A, %dma_wait3A_154, %dma_wait3A_155] : memref<2x2048x128xf32, #tpu.memory_space<vmem>> -> memref<1x2048x128xf32, #tpu.memory_space<vmem>>
      %dma_wait3A_157 = tpu.memref_squeeze %dma_wait3A_156 : memref<1x2048x128xf32, #tpu.memory_space<vmem>> -> memref<2048x128xf32, #tpu.memory_space<vmem>>
      %dma_wait3A_158 = arith.constant 0 : i32
      %dma_wait3A_159 = tpu.memref_slice %arg1[%mul3A_153, %dma_wait3A_158] : memref<204800x128xf32, #tpu.memory_space<hbm>> -> memref<2048x128xf32, #tpu.memory_space<hbm>>
      tpu.wait_dma2 semaphore(%arg9 : memref<!tpu.dma_semaphore, #tpu.memory_space<semaphore_mem>>) src(%dma_wait3A_159 : memref<2048x128xf32, #tpu.memory_space<hbm>>) dst(%dma_wait3A_157 : memref<2048x128xf32, #tpu.memory_space<vmem>>)
    } else {
    }
    %get3A = arith.index_cast %rem3A_0 : i32 to index
    %get3A_30 = arith.constant 0 : index
    %get3A_31 = arith.constant 0 : index
    %get3A_32 = vector.load %arg7[%get3A, %get3A_30, %get3A_31] : memref<2x2048x128xf32, #tpu.memory_space<vmem>>, vector<1x2048x128xf32>
    %get3A_33 = vector.shape_cast %get3A_32 : vector<1x2048x128xf32> to vector<2048x128xf32>
    %get3A_34 = arith.constant 0 : index
    %get3A_35 = arith.constant 0 : index
    %get3A_36 = vector.load %arg2[%get3A_34, %get3A_35] : memref<16x128xi32, #tpu.memory_space<vmem>>, vector<16x128xi32>
    %and3A_37 = arith.constant 1 : i32
    %and3A_38 = vector.broadcast %and3A_37 : i32 to vector<16x128xi32>
    %and3A_39 = arith.andi %get3A_36, %and3A_38 : vector<16x128xi32>
    %convert_element_type3A_40 = arith.sitofp %and3A_39 : vector<16x128xi32> to vector<16x128xf32>
    %iota3A = tpu.iota {dimensions = array<i32: 0>} : vector<2048x16xi32>
    %jit3A = arith.constant 128 : i32
    %div3A = vector.broadcast %jit3A : i32 to vector<2048x16xi32>
    %div3A_41 = arith.divsi %iota3A, %div3A : vector<2048x16xi32>
    %sign3A = arith.constant 0 : i32
    %sign3A_42 = vector.broadcast %sign3A : i32 to vector<2048x16xi32>
    %sign3A_43 = arith.cmpi sgt, %iota3A, %sign3A_42 : vector<2048x16xi32>
    %sign3A_44 = arith.extui %sign3A_43 : vector<2048x16xi1> to vector<2048x16xi32>
    %sign3A_45 = arith.constant 0 : i32
    %sign3A_46 = vector.broadcast %sign3A_45 : i32 to vector<2048x16xi32>
    %sign3A_47 = arith.cmpi slt, %iota3A, %sign3A_46 : vector<2048x16xi32>
    %sign3A_48 = arith.extui %sign3A_47 : vector<2048x16xi1> to vector<2048x16xi32>
    %sign3A_49 = arith.subi %sign3A_44, %sign3A_48 : vector<2048x16xi32>
    %sign3A_50 = arith.constant 0 : i32
    %sign3A_51 = arith.cmpi sgt, %jit3A, %sign3A_50 : i32
    %sign3A_52 = arith.extui %sign3A_51 : i1 to i32
    %sign3A_53 = arith.constant 0 : i32
    %sign3A_54 = arith.cmpi slt, %jit3A, %sign3A_53 : i32
    %sign3A_55 = arith.extui %sign3A_54 : i1 to i32
    %sign3A_56 = arith.subi %sign3A_52, %sign3A_55 : i32
    %ne3A = vector.broadcast %sign3A_56 : i32 to vector<2048x16xi32>
    %ne3A_57 = arith.cmpi ne, %sign3A_49, %ne3A : vector<2048x16xi32>
    %rem3A_58 = vector.broadcast %jit3A : i32 to vector<2048x16xi32>
    %rem3A_59 = arith.remsi %iota3A, %rem3A_58 : vector<2048x16xi32>
    %ne3A_60 = arith.constant 0 : i32
    %ne3A_61 = vector.broadcast %ne3A_60 : i32 to vector<2048x16xi32>
    %ne3A_62 = arith.cmpi ne, %rem3A_59, %ne3A_61 : vector<2048x16xi32>
    %and3A_63 = arith.andi %ne3A_57, %ne3A_62 : vector<2048x16xi1>
    %sub3A = arith.constant 1 : i32
    %sub3A_64 = vector.broadcast %sub3A : i32 to vector<2048x16xi32>
    %sub3A_65 = arith.subi %div3A_41, %sub3A_64 : vector<2048x16xi32>
    %select_n3A = arith.select %and3A_63, %sub3A_65, %div3A_41 : vector<2048x16xi1>, vector<2048x16xi32>
    %iota3A_66 = tpu.iota {dimensions = array<i32: 1>} : vector<2048x16xi32>
    %eq3A_67 = arith.cmpi eq, %select_n3A, %iota3A_66 : vector<2048x16xi32>
    %convert_element_type3A_68 = arith.extui %eq3A_67 : vector<2048x16xi1> to vector<2048x16xi32>
    %convert_element_type3A_69 = arith.sitofp %convert_element_type3A_68 : vector<2048x16xi32> to vector<2048x16xf32>
    %dot_general3A = arith.constant dense<0.000000e+00> : vector<2048x128xf32>
    %dot_general3A_70 = tpu.matmul %convert_element_type3A_69, %convert_element_type3A_40, %dot_general3A {dimension_numbers = #tpu.dot_dimension_numbers<[1], [0], [0], [1], [0, 0, 1, 1], [], []>, transpose_lhs_hint = false} : vector<2048x16xf32>, vector<16x128xf32>, vector<2048x128xf32> -> vector<2048x128xf32>
    %iota3A_71 = tpu.iota {dimensions = array<i32: 0>} : vector<2048x128xi32>
    %jit3A_72 = arith.constant 128 : i32
    %eq3A_73 = arith.constant 0 : i32
    %eq3A_74 = arith.cmpi eq, %jit3A_72, %eq3A_73 : i32
    %jit3A_75 = arith.constant 1 : i32
    %select_n3A_76 = arith.select %eq3A_74, %jit3A_75, %jit3A_72 : i32
    %rem3A_77 = vector.broadcast %select_n3A_76 : i32 to vector<2048x128xi32>
    %rem3A_78 = arith.remsi %iota3A_71, %rem3A_77 : vector<2048x128xi32>
    %ne3A_79 = arith.constant 0 : i32
    %ne3A_80 = vector.broadcast %ne3A_79 : i32 to vector<2048x128xi32>
    %ne3A_81 = arith.cmpi ne, %rem3A_78, %ne3A_80 : vector<2048x128xi32>
    %lt3A_82 = arith.constant 0 : i32
    %lt3A_83 = vector.broadcast %lt3A_82 : i32 to vector<2048x128xi32>
    %lt3A_84 = arith.cmpi slt, %rem3A_78, %lt3A_83 : vector<2048x128xi32>
    %lt3A_85 = arith.constant 0 : i32
    %lt3A_86 = arith.cmpi slt, %select_n3A_76, %lt3A_85 : i32
    %ne3A_87 = vector.broadcast %lt3A_86 : i1 to vector<2048x128xi1>
    %ne3A_88 = vector.broadcast %ne3A_87 : vector<2048x128xi1> to vector<2048x128xi1>
    %ne3A_89 = arith.xori %lt3A_84, %ne3A_88 : vector<2048x128xi1>
    %and3A_90 = arith.andi %ne3A_89, %ne3A_81 : vector<2048x128xi1>
    %add3A_91 = vector.broadcast %select_n3A_76 : i32 to vector<2048x128xi32>
    %add3A_92 = arith.addi %rem3A_78, %add3A_91 : vector<2048x128xi32>
    %select_n3A_93 = arith.select %and3A_90, %add3A_92, %rem3A_78 : vector<2048x128xi1>, vector<2048x128xi32>
    %iota3A_94 = tpu.iota {dimensions = array<i32: 1>} : vector<2048x128xi32>
    %eq3A_95 = arith.cmpi eq, %select_n3A_93, %iota3A_94 : vector<2048x128xi32>
    %jit3A_96 = arith.constant 0.000000e+00 : f32
    %broadcast_in_dim3A = vector.broadcast %jit3A_96 : f32 to vector<2048x128xf32>
    %select_n3A_97 = arith.select %eq3A_95, %dot_general3A_70, %broadcast_in_dim3A : vector<2048x128xi1>, vector<2048x128xf32>
    %reduce_sum3A = arith.constant dense<0.000000e+00> : vector<2048xf32>
    %reduce_sum3A_98 = vector.multi_reduction <add>, %select_n3A_97, %reduce_sum3A [1] : vector<2048x128xf32> to vector<2048xf32>
    %broadcast_in_dim3A_99 = vector.shape_cast %reduce_sum3A_98 : vector<2048xf32> to vector<2048x1xf32>
    %iota3A_100 = tpu.iota {dimensions = array<i32: 1>} : vector<2048x128xi32>
    %jit3A_101 = arith.constant 64 : i32
    %div3A_102 = vector.broadcast %jit3A_101 : i32 to vector<2048x128xi32>
    %div3A_103 = arith.divsi %iota3A_100, %div3A_102 : vector<2048x128xi32>
    %sign3A_104 = arith.constant 0 : i32
    %sign3A_105 = vector.broadcast %sign3A_104 : i32 to vector<2048x128xi32>
    %sign3A_106 = arith.cmpi sgt, %iota3A_100, %sign3A_105 : vector<2048x128xi32>
    %sign3A_107 = arith.extui %sign3A_106 : vector<2048x128xi1> to vector<2048x128xi32>
    %sign3A_108 = arith.constant 0 : i32
    %sign3A_109 = vector.broadcast %sign3A_108 : i32 to vector<2048x128xi32>
    %sign3A_110 = arith.cmpi slt, %iota3A_100, %sign3A_109 : vector<2048x128xi32>
    %sign3A_111 = arith.extui %sign3A_110 : vector<2048x128xi1> to vector<2048x128xi32>
    %sign3A_112 = arith.subi %sign3A_107, %sign3A_111 : vector<2048x128xi32>
    %sign3A_113 = arith.constant 0 : i32
    %sign3A_114 = arith.cmpi sgt, %jit3A_101, %sign3A_113 : i32
    %sign3A_115 = arith.extui %sign3A_114 : i1 to i32
    %sign3A_116 = arith.constant 0 : i32
    %sign3A_117 = arith.cmpi slt, %jit3A_101, %sign3A_116 : i32
    %sign3A_118 = arith.extui %sign3A_117 : i1 to i32
    %sign3A_119 = arith.subi %sign3A_115, %sign3A_118 : i32
    %ne3A_120 = vector.broadcast %sign3A_119 : i32 to vector<2048x128xi32>
    %ne3A_121 = arith.cmpi ne, %sign3A_112, %ne3A_120 : vector<2048x128xi32>
    %rem3A_122 = vector.broadcast %jit3A_101 : i32 to vector<2048x128xi32>
    %rem3A_123 = arith.remsi %iota3A_100, %rem3A_122 : vector<2048x128xi32>
    %ne3A_124 = arith.constant 0 : i32
    %ne3A_125 = vector.broadcast %ne3A_124 : i32 to vector<2048x128xi32>
    %ne3A_126 = arith.cmpi ne, %rem3A_123, %ne3A_125 : vector<2048x128xi32>
    %and3A_127 = arith.andi %ne3A_121, %ne3A_126 : vector<2048x128xi1>
    %sub3A_128 = arith.constant 1 : i32
    %sub3A_129 = vector.broadcast %sub3A_128 : i32 to vector<2048x128xi32>
    %sub3A_130 = arith.subi %div3A_103, %sub3A_129 : vector<2048x128xi32>
    %select_n3A_131 = arith.select %and3A_127, %sub3A_130, %div3A_103 : vector<2048x128xi1>, vector<2048x128xi32>
    %convert_element_type3A_132 = arith.sitofp %select_n3A_131 : vector<2048x128xi32> to vector<2048x128xf32>
    %eq3A_133 = vector.broadcast %broadcast_in_dim3A_99 : vector<2048x1xf32> to vector<2048x128xf32>
    %eq3A_134 = arith.cmpf oeq, %convert_element_type3A_132, %eq3A_133 : vector<2048x128xf32>
    %jit3A_135 = arith.constant 0.000000e+00 : f32
    %broadcast_in_dim3A_136 = vector.broadcast %jit3A_135 : f32 to vector<2048x128xf32>
    %select_n3A_137 = arith.select %eq3A_134, %get3A_33, %broadcast_in_dim3A_136 : vector<2048x128xi1>, vector<2048x128xf32>
    %get3A_138 = arith.constant 0 : index
    %get3A_139 = arith.constant 0 : index
    %get3A_140 = vector.load %arg3[%get3A_138, %get3A_139] : memref<128x256xf32, #tpu.memory_space<vmem>>, vector<128x256xf32>
    %dot_general3A_141 = arith.constant dense<0.000000e+00> : vector<2048x256xf32>
    %dot_general3A_142 = tpu.matmul %select_n3A_137, %get3A_140, %dot_general3A_141 {dimension_numbers = #tpu.dot_dimension_numbers<[1], [0], [0], [1], [0, 0, 1, 1], [], []>, transpose_lhs_hint = false} : vector<2048x128xf32>, vector<128x256xf32>, vector<2048x256xf32> -> vector<2048x256xf32>
    %get3A_143 = arith.constant 0 : index
    %get3A_144 = arith.constant 0 : index
    %get3A_145 = vector.load %arg4[%get3A_143, %get3A_144] : memref<1x256xf32, #tpu.memory_space<vmem>>, vector<1x256xf32>
    %add3A_146 = vector.broadcast %get3A_145 : vector<1x256xf32> to vector<2048x256xf32>
    %add3A_147 = arith.addf %dot_general3A_142, %add3A_146 : vector<2048x256xf32>
    %mul3A = arith.constant 1.600000e+01 : f32
    %mul3A_148 = vector.broadcast %mul3A : f32 to vector<2048x256xf32>
    %mul3A_149 = arith.mulf %add3A_147, %mul3A_148 : vector<2048x256xf32>
    %swap3A = arith.constant 0 : index
    %swap3A_150 = arith.constant 0 : index
    %swap3A_151 = vector.load %arg6[%swap3A, %swap3A_150] : memref<2048x256xf32, #tpu.memory_space<vmem>>, vector<2048x256xf32>
    tpu.vector_store %arg6[%swap3A, %swap3A_150], %mul3A_149 {strides = array<i32>} : memref<2048x256xf32, #tpu.memory_space<vmem>>, vector<2048x256xf32>,
    return
  }
  func.func @transform_1(%arg0: i32) -> (i32, i32) {
    %c0_i32 = arith.constant 0 : i32
    %c0_i32_0 = arith.constant 0 : i32
    return %arg0, %c0_i32 : i32, i32
  }
  func.func @transform_2(%arg0: i32) -> (i32, i32) {
    %c0_i32 = arith.constant 0 : i32
    %c0_i32_0 = arith.constant 0 : i32
    %c0_i32_1 = arith.constant 0 : i32
    return %c0_i32, %c0_i32_0 : i32, i32
  }
  func.func @transform_3(%arg0: i32) -> (i32, i32) {
    %c0_i32 = arith.constant 0 : i32
    %c0_i32_0 = arith.constant 0 : i32
    %c0_i32_1 = arith.constant 0 : i32
    return %c0_i32, %c0_i32_0 : i32, i32
  }
  func.func @transform_5(%arg0: i32) -> (i32, i32) {
    %add3A = arith.constant 100 : i32
    %add3A_0 = arith.addi %arg0, %add3A : i32
    %c0_i32 = arith.constant 0 : i32
    %c0_i32_1 = arith.constant 0 : i32
    return %add3A_0, %c0_i32 : i32, i32
  }
}

module attributes {stable_mosaic.version = 14 : i64} {
  func.func @body(%arg0: i32, %arg1: memref<204800x128xf32, #tpu.memory_space<hbm>>, %arg2: memref<16x128xi32, #tpu.memory_space<vmem>>, %arg3: memref<128x256xf32, #tpu.memory_space<vmem>>, %arg4: memref<1x256xf32, #tpu.memory_space<vmem>>, %arg5: memref<819200x256xf32, #tpu.memory_space<hbm>>, %arg6: memref<2048x256xf32, #tpu.memory_space<vmem>>, %arg7: memref<2x2048x128xf32, #tpu.memory_space<vmem>>, %arg8: memref<!tpu.dma_semaphore, #tpu.memory_space<semaphore_mem>>, %arg9: memref<!tpu.dma_semaphore, #tpu.memory_space<semaphore_mem>>) attributes {dimension_semantics = [#tpu.dimension_semantics<arbitrary>], iteration_bounds = array<i64: 100>, scalar_prefetch = 0 : i64, scratch_operands = 3 : i64, tpu.core_type = #tpu.core_type<tc>, window_params = [{}, {transform_indices = @transform_1, window_bounds = array<i64: 16, 128>}, {pipeline_mode = #tpu.pipeline_mode<synchronous>, transform_indices = @transform_2, window_bounds = array<i64: 128, 256>}, {pipeline_mode = #tpu.pipeline_mode<synchronous>, transform_indices = @transform_3, window_bounds = array<i64: 1, 256>}, {}, {transform_indices = @transform_5, window_bounds = array<i64: 2048, 256>}]} {
    %rem3A = arith.constant 2 : i32
    %rem3A_0 = arith.remsi %arg0, %rem3A : i32
    %eq3A = arith.constant 0 : i32
    %eq3A_1 = arith.cmpi eq, %arg0, %eq3A : i32
    %convert_element_type3A = arith.extui %eq3A_1 : i1 to i32
    %cond3A = arith.constant 0 : i32
    %cond3A_2 = arith.cmpi ne, %convert_element_type3A, %cond3A : i32
    scf.if %cond3A_2 {
      %dma_start3A = arith.constant 0 : i32
      %dma_start3A_152 = arith.constant 0 : i32
      %dma_start3A_153 = arith.constant 0 : i32
      %dma_start3A_154 = tpu.memref_slice %arg7[%dma_start3A, %dma_start3A_152, %dma_start3A_153] : memref<2x2048x128xf32, #tpu.memory_space<vmem>> -> memref<1x2048x128xf32, #tpu.memory_space<vmem>>
      %dma_start3A_155 = tpu.memref_squeeze %dma_start3A_154 : memref<1x2048x128xf32, #tpu.memory_space<vmem>> -> memref<2048x128xf32, #tpu.memory_space<vmem>>
      %dma_start3A_156 = arith.constant 0 : i32
      %dma_start3A_157 = arith.constant 0 : i32
      %dma_start3A_158 = tpu.memref_slice %arg1[%dma_start3A_156, %dma_start3A_157] : memref<204800x128xf32, #tpu.memory_space<hbm>> -> memref<2048x128xf32, #tpu.memory_space<hbm>>
      tpu.enqueue_dma source(%dma_start3A_158 : memref<2048x128xf32, #tpu.memory_space<hbm>>) target(%dma_start3A_155 : memref<2048x128xf32, #tpu.memory_space<vmem>>) target_semaphore(%arg8 : memref<!tpu.dma_semaphore, #tpu.memory_space<semaphore_mem>>)
    } else {
    }
    %add3A = arith.constant 1 : i32
    %add3A_3 = arith.addi %arg0, %add3A : i32
    %lt3A = arith.constant 100 : i32
    %lt3A_4 = arith.cmpi slt, %add3A_3, %lt3A : i32
    %eq3A_5 = arith.constant 0 : i32
    %eq3A_6 = arith.cmpi eq, %rem3A_0, %eq3A_5 : i32
    %and3A = arith.andi %lt3A_4, %eq3A_6 : i1
    %convert_element_type3A_7 = arith.extui %and3A : i1 to i32
    %cond3A_8 = arith.constant 0 : i32
    %cond3A_9 = arith.cmpi ne, %convert_element_type3A_7, %cond3A_8 : i32
    scf.if %cond3A_9 {
      %add3A_152 = arith.constant 1 : i32
      %add3A_153 = arith.addi %arg0, %add3A_152 : i32
      %mul3A_154 = arith.constant 2048 : i32
      %mul3A_155 = arith.muli %add3A_153, %mul3A_154 : i32
      %dma_start3A = arith.constant 1 : i32
      %dma_start3A_156 = arith.constant 0 : i32
      %dma_start3A_157 = arith.constant 0 : i32
      %dma_start3A_158 = tpu.memref_slice %arg7[%dma_start3A, %dma_start3A_156, %dma_start3A_157] : memref<2x2048x128xf32, #tpu.memory_space<vmem>> -> memref<1x2048x128xf32, #tpu.memory_space<vmem>>
      %dma_start3A_159 = tpu.memref_squeeze %dma_start3A_158 : memref<1x2048x128xf32, #tpu.memory_space<vmem>> -> memref<2048x128xf32, #tpu.memory_space<vmem>>
      %dma_start3A_160 = arith.constant 0 : i32
      %dma_start3A_161 = tpu.memref_slice %arg1[%mul3A_155, %dma_start3A_160] : memref<204800x128xf32, #tpu.memory_space<hbm>> -> memref<2048x128xf32, #tpu.memory_space<hbm>>
      tpu.enqueue_dma source(%dma_start3A_161 : memref<2048x128xf32, #tpu.memory_space<hbm>>) target(%dma_start3A_159 : memref<2048x128xf32, #tpu.memory_space<vmem>>) target_semaphore(%arg9 : memref<!tpu.dma_semaphore, #tpu.memory_space<semaphore_mem>>)
    } else {
    }
    %add3A_10 = arith.constant 1 : i32
    %add3A_11 = arith.addi %arg0, %add3A_10 : i32
    %lt3A_12 = arith.constant 100 : i32
    %lt3A_13 = arith.cmpi slt, %add3A_11, %lt3A_12 : i32
    %eq3A_14 = arith.constant 1 : i32
    %eq3A_15 = arith.cmpi eq, %rem3A_0, %eq3A_14 : i32
    %and3A_16 = arith.andi %lt3A_13, %eq3A_15 : i1
    %convert_element_type3A_17 = arith.extui %and3A_16 : i1 to i32
    %cond3A_18 = arith.constant 0 : i32
    %cond3A_19 = arith.cmpi ne, %convert_element_type3A_17, %cond3A_18 : i32
    scf.if %cond3A_19 {
      %add3A_152 = arith.constant 1 : i32
      %add3A_153 = arith.addi %arg0, %add3A_152 : i32
      %mul3A_154 = arith.constant 2048 : i32
      %mul3A_155 = arith.muli %add3A_153, %mul3A_154 : i32
      %dma_start3A = arith.constant 0 : i32
      %dma_start3A_156 = arith.constant 0 : i32
      %dma_start3A_157 = arith.constant 0 : i32
      %dma_start3A_158 = tpu.memref_slice %arg7[%dma_start3A, %dma_start3A_156, %dma_start3A_157] : memref<2x2048x128xf32, #tpu.memory_space<vmem>> -> memref<1x2048x128xf32, #tpu.memory_space<vmem>>
      %dma_start3A_159 = tpu.memref_squeeze %dma_start3A_158 : memref<1x2048x128xf32, #tpu.memory_space<vmem>> -> memref<2048x128xf32, #tpu.memory_space<vmem>>
      %dma_start3A_160 = arith.constant 0 : i32
      %dma_start3A_161 = tpu.memref_slice %arg1[%mul3A_155, %dma_start3A_160] : memref<204800x128xf32, #tpu.memory_space<hbm>> -> memref<2048x128xf32, #tpu.memory_space<hbm>>
      tpu.enqueue_dma source(%dma_start3A_161 : memref<2048x128xf32, #tpu.memory_space<hbm>>) target(%dma_start3A_159 : memref<2048x128xf32, #tpu.memory_space<vmem>>) target_semaphore(%arg8 : memref<!tpu.dma_semaphore, #tpu.memory_space<semaphore_mem>>)
    } else {
    }
    %eq3A_20 = arith.constant 0 : i32
    %eq3A_21 = arith.cmpi eq, %rem3A_0, %eq3A_20 : i32
    %convert_element_type3A_22 = arith.extui %eq3A_21 : i1 to i32
    %cond3A_23 = arith.constant 0 : i32
    %cond3A_24 = arith.cmpi ne, %convert_element_type3A_22, %cond3A_23 : i32
    scf.if %cond3A_24 {
      %mul3A_152 = arith.constant 2048 : i32
      %mul3A_153 = arith.muli %arg0, %mul3A_152 : i32
      %dma_wait3A = arith.constant 0 : i32
      %dma_wait3A_154 = arith.constant 0 : i32
      %dma_wait3A_155 = arith.constant 0 : i32
      %dma_wait3A_156 = tpu.memref_slice %arg7[%dma_wait3A, %dma_wait3A_154, %dma_wait3A_155] : memref<2x2048x128xf32, #tpu.memory_space<vmem>> -> memref<1x2048x128xf32, #tpu.memory_space<vmem>>
      %dma_wait3A_157 = tpu.memref_squeeze %dma_wait3A_156 : memref<1x2048x128xf32, #tpu.memory_space<vmem>> -> memref<2048x128xf32, #tpu.memory_space<vmem>>
      %dma_wait3A_158 = arith.constant 0 : i32
      %dma_wait3A_159 = tpu.memref_slice %arg1[%mul3A_153, %dma_wait3A_158] : memref<204800x128xf32, #tpu.memory_space<hbm>> -> memref<2048x128xf32, #tpu.memory_space<hbm>>
      tpu.wait_dma2 semaphore(%arg8 : memref<!tpu.dma_semaphore, #tpu.memory_space<semaphore_mem>>) src(%dma_wait3A_159 : memref<2048x128xf32, #tpu.memory_space<hbm>>) dst(%dma_wait3A_157 : memref<2048x128xf32, #tpu.memory_space<vmem>>)
    } else {
    }
    %eq3A_25 = arith.constant 1 : i32
    %eq3A_26 = arith.cmpi eq, %rem3A_0, %eq3A_25 : i32
    %convert_element_type3A_27 = arith.extui %eq3A_26 : i1 to i32
    %cond3A_28 = arith.constant 0 : i32
    %cond3A_29 = arith.cmpi ne, %convert_element_type3A_27, %cond3A_28 : i32
    scf.if %cond3A_29 {
      %mul3A_152 = arith.constant 2048 : i32
      %mul3A_153 = arith.muli %arg0, %mul3A_152 : i32
      %dma_wait3A = arith.constant 1 : i32
      %dma_wait3A_154 = arith.constant 0 : i32
      %dma_wait3A_155 = arith.constant 0 : i32
      %dma_wait3A_156 = tpu.memref_slice %arg7[%dma_wait3A, %dma_wait3A_154, %dma_wait3A_155] : memref<2x2048x128xf32, #tpu.memory_space<vmem>> -> memref<1x2048x128xf32, #tpu.memory_space<vmem>>
      %dma_wait3A_157 = tpu.memref_squeeze %dma_wait3A_156 : memref<1x2048x128xf32, #tpu.memory_space<vmem>> -> memref<2048x128xf32, #tpu.memory_space<vmem>>
      %dma_wait3A_158 = arith.constant 0 : i32
      %dma_wait3A_159 = tpu.memref_slice %arg1[%mul3A_153, %dma_wait3A_158] : memref<204800x128xf32, #tpu.memory_space<hbm>> -> memref<2048x128xf32, #tpu.memory_space<hbm>>
      tpu.wait_dma2 semaphore(%arg9 : memref<!tpu.dma_semaphore, #tpu.memory_space<semaphore_mem>>) src(%dma_wait3A_159 : memref<2048x128xf32, #tpu.memory_space<hbm>>) dst(%dma_wait3A_157 : memref<2048x128xf32, #tpu.memory_space<vmem>>)
    } else {
    }
    %get3A = arith.index_cast %rem3A_0 : i32 to index
    %get3A_30 = arith.constant 0 : index
    %get3A_31 = arith.constant 0 : index
    %get3A_32 = vector.load %arg7[%get3A, %get3A_30, %get3A_31] : memref<2x2048x128xf32, #tpu.memory_space<vmem>>, vector<1x2048x128xf32>
    %get3A_33 = vector.shape_cast %get3A_32 : vector<1x2048x128xf32> to vector<2048x128xf32>
    %get3A_34 = arith.constant 0 : index
    %get3A_35 = arith.constant 0 : index
    %get3A_36 = vector.load %arg2[%get3A_34, %get3A_35] : memref<16x128xi32, #tpu.memory_space<vmem>>, vector<16x128xi32>
    %and3A_37 = arith.constant 1 : i32
    %and3A_38 = vector.broadcast %and3A_37 : i32 to vector<16x128xi32>
    %and3A_39 = arith.andi %get3A_36, %and3A_38 : vector<16x128xi32>
    %convert_element_type3A_40 = arith.sitofp %and3A_39 : vector<16x128xi32> to vector<16x128xf32>
    %iota3A = tpu.iota {dimensions = array<i32: 0>} : vector<2048x16xi32>
    %jit3A = arith.constant 128 : i32
    %div3A = vector.broadcast %jit3A : i32 to vector<2048x16xi32>
    %div3A_41 = arith.divsi %iota3A, %div3A : vector<2048x16xi32>
    %sign3A = arith.constant 0 : i32
    %sign3A_42 = vector.broadcast %sign3A : i32 to vector<2048x16xi32>
    %sign3A_43 = arith.cmpi sgt, %iota3A, %sign3A_42 : vector<2048x16xi32>
    %sign3A_44 = arith.extui %sign3A_43 : vector<2048x16xi1> to vector<2048x16xi32>
    %sign3A_45 = arith.constant 0 : i32
    %sign3A_46 = vector.broadcast %sign3A_45 : i32 to vector<2048x16xi32>
    %sign3A_47 = arith.cmpi slt, %iota3A, %sign3A_46 : vector<2048x16xi32>
    %sign3A_48 = arith.extui %sign3A_47 : vector<2048x16xi1> to vector<2048x16xi32>
    %sign3A_49 = arith.subi %sign3A_44, %sign3A_48 : vector<2048x16xi32>
    %sign3A_50 = arith.constant 0 : i32
    %sign3A_51 = arith.cmpi sgt, %jit3A, %sign3A_50 : i32
    %sign3A_52 = arith.extui %sign3A_51 : i1 to i32
    %sign3A_53 = arith.constant 0 : i32
    %sign3A_54 = arith.cmpi slt, %jit3A, %sign3A_53 : i32
    %sign3A_55 = arith.extui %sign3A_54 : i1 to i32
    %sign3A_56 = arith.subi %sign3A_52, %sign3A_55 : i32
    %ne3A = vector.broadcast %sign3A_56 : i32 to vector<2048x16xi32>
    %ne3A_57 = arith.cmpi ne, %sign3A_49, %ne3A : vector<2048x16xi32>
    %rem3A_58 = vector.broadcast %jit3A : i32 to vector<2048x16xi32>
    %rem3A_59 = arith.remsi %iota3A, %rem3A_58 : vector<2048x16xi32>
    %ne3A_60 = arith.constant 0 : i32
    %ne3A_61 = vector.broadcast %ne3A_60 : i32 to vector<2048x16xi32>
    %ne3A_62 = arith.cmpi ne, %rem3A_59, %ne3A_61 : vector<2048x16xi32>
    %and3A_63 = arith.andi %ne3A_57, %ne3A_62 : vector<2048x16xi1>
    %sub3A = arith.constant 1 : i32
    %sub3A_64 = vector.broadcast %sub3A : i32 to vector<2048x16xi32>
    %sub3A_65 = arith.subi %div3A_41, %sub3A_64 : vector<2048x16xi32>
    %select_n3A = arith.select %and3A_63, %sub3A_65, %div3A_41 : vector<2048x16xi1>, vector<2048x16xi32>
    %iota3A_66 = tpu.iota {dimensions = array<i32: 1>} : vector<2048x16xi32>
    %eq3A_67 = arith.cmpi eq, %select_n3A, %iota3A_66 : vector<2048x16xi32>
    %convert_element_type3A_68 = arith.extui %eq3A_67 : vector<2048x16xi1> to vector<2048x16xi32>
    %convert_element_type3A_69 = arith.sitofp %convert_element_type3A_68 : vector<2048x16xi32> to vector<2048x16xf32>
    %dot_general3A = arith.constant dense<0.000000e+00> : vector<2048x128xf32>
    %dot_general3A_70 = tpu.matmul %convert_element_type3A_69, %convert_element_type3A_40, %dot_general3A {dimension_numbers = #tpu.dot_dimension_numbers<[1], [0], [0], [1], [0, 0, 1, 1], [], []>, transpose_lhs_hint = false} : vector<2048x16xf32>, vector<16x128xf32>, vector<2048x128xf32> -> vector<2048x128xf32>
    %iota3A_71 = tpu.iota {dimensions = array<i32: 0>} : vector<2048x128xi32>
    %jit3A_72 = arith.constant 128 : i32
    %eq3A_73 = arith.constant 0 : i32
    %eq3A_74 = arith.cmpi eq, %jit3A_72, %eq3A_73 : i32
    %jit3A_75 = arith.constant 1 : i32
    %select_n3A_76 = arith.select %eq3A_74, %jit3A_75, %jit3A_72 : i32
    %rem3A_77 = vector.broadcast %select_n3A_76 : i32 to vector<2048x128xi32>
    %rem3A_78 = arith.remsi %iota3A_71, %rem3A_77 : vector<2048x128xi32>
    %ne3A_79 = arith.constant 0 : i32
    %ne3A_80 = vector.broadcast %ne3A_79 : i32 to vector<2048x128xi32>
    %ne3A_81 = arith.cmpi ne, %rem3A_78, %ne3A_80 : vector<2048x128xi32>
    %lt3A_82 = arith.constant 0 : i32
    %lt3A_83 = vector.broadcast %lt3A_82 : i32 to vector<2048x128xi32>
    %lt3A_84 = arith.cmpi slt, %rem3A_78, %lt3A_83 : vector<2048x128xi32>
    %lt3A_85 = arith.constant 0 : i32
    %lt3A_86 = arith.cmpi slt, %select_n3A_76, %lt3A_85 : i32
    %ne3A_87 = vector.broadcast %lt3A_86 : i1 to vector<2048x128xi1>
    %ne3A_88 = vector.broadcast %ne3A_87 : vector<2048x128xi1> to vector<2048x128xi1>
    %ne3A_89 = arith.xori %lt3A_84, %ne3A_88 : vector<2048x128xi1>
    %and3A_90 = arith.andi %ne3A_89, %ne3A_81 : vector<2048x128xi1>
    %add3A_91 = vector.broadcast %select_n3A_76 : i32 to vector<2048x128xi32>
    %add3A_92 = arith.addi %rem3A_78, %add3A_91 : vector<2048x128xi32>
    %select_n3A_93 = arith.select %and3A_90, %add3A_92, %rem3A_78 : vector<2048x128xi1>, vector<2048x128xi32>
    %iota3A_94 = tpu.iota {dimensions = array<i32: 1>} : vector<2048x128xi32>
    %eq3A_95 = arith.cmpi eq, %select_n3A_93, %iota3A_94 : vector<2048x128xi32>
    %jit3A_96 = arith.constant 0.000000e+00 : f32
    %broadcast_in_dim3A = vector.broadcast %jit3A_96 : f32 to vector<2048x128xf32>
    %select_n3A_97 = arith.select %eq3A_95, %dot_general3A_70, %broadcast_in_dim3A : vector<2048x128xi1>, vector<2048x128xf32>
    %reduce_sum3A = arith.constant dense<0.000000e+00> : vector<2048xf32>
    %reduce_sum3A_98 = vector.multi_reduction <add>, %select_n3A_97, %reduce_sum3A [1] : vector<2048x128xf32> to vector<2048xf32>
    %broadcast_in_dim3A_99 = vector.shape_cast %reduce_sum3A_98 : vector<2048xf32> to vector<2048x1xf32>
    %iota3A_100 = tpu.iota {dimensions = array<i32: 1>} : vector<2048x128xi32>
    %jit3A_101 = arith.constant 64 : i32
    %div3A_102 = vector.broadcast %jit3A_101 : i32 to vector<2048x128xi32>
    %div3A_103 = arith.divsi %iota3A_100, %div3A_102 : vector<2048x128xi32>
    %sign3A_104 = arith.constant 0 : i32
    %sign3A_105 = vector.broadcast %sign3A_104 : i32 to vector<2048x128xi32>
    %sign3A_106 = arith.cmpi sgt, %iota3A_100, %sign3A_105 : vector<2048x128xi32>
    %sign3A_107 = arith.extui %sign3A_106 : vector<2048x128xi1> to vector<2048x128xi32>
    %sign3A_108 = arith.constant 0 : i32
    %sign3A_109 = vector.broadcast %sign3A_108 : i32 to vector<2048x128xi32>
    %sign3A_110 = arith.cmpi slt, %iota3A_100, %sign3A_109 : vector<2048x128xi32>
    %sign3A_111 = arith.extui %sign3A_110 : vector<2048x128xi1> to vector<2048x128xi32>
    %sign3A_112 = arith.subi %sign3A_107, %sign3A_111 : vector<2048x128xi32>
    %sign3A_113 = arith.constant 0 : i32
    %sign3A_114 = arith.cmpi sgt, %jit3A_101, %sign3A_113 : i32
    %sign3A_115 = arith.extui %sign3A_114 : i1 to i32
    %sign3A_116 = arith.constant 0 : i32
    %sign3A_117 = arith.cmpi slt, %jit3A_101, %sign3A_116 : i32
    %sign3A_118 = arith.extui %sign3A_117 : i1 to i32
    %sign3A_119 = arith.subi %sign3A_115, %sign3A_118 : i32
    %ne3A_120 = vector.broadcast %sign3A_119 : i32 to vector<2048x128xi32>
    %ne3A_121 = arith.cmpi ne, %sign3A_112, %ne3A_120 : vector<2048x128xi32>
    %rem3A_122 = vector.broadcast %jit3A_101 : i32 to vector<2048x128xi32>
    %rem3A_123 = arith.remsi %iota3A_100, %rem3A_122 : vector<2048x128xi32>
    %ne3A_124 = arith.constant 0 : i32
    %ne3A_125 = vector.broadcast %ne3A_124 : i32 to vector<2048x128xi32>
    %ne3A_126 = arith.cmpi ne, %rem3A_123, %ne3A_125 : vector<2048x128xi32>
    %and3A_127 = arith.andi %ne3A_121, %ne3A_126 : vector<2048x128xi1>
    %sub3A_128 = arith.constant 1 : i32
    %sub3A_129 = vector.broadcast %sub3A_128 : i32 to vector<2048x128xi32>
    %sub3A_130 = arith.subi %div3A_103, %sub3A_129 : vector<2048x128xi32>
    %select_n3A_131 = arith.select %and3A_127, %sub3A_130, %div3A_103 : vector<2048x128xi1>, vector<2048x128xi32>
    %convert_element_type3A_132 = arith.sitofp %select_n3A_131 : vector<2048x128xi32> to vector<2048x128xf32>
    %eq3A_133 = vector.broadcast %broadcast_in_dim3A_99 : vector<2048x1xf32> to vector<2048x128xf32>
    %eq3A_134 = arith.cmpf oeq, %convert_element_type3A_132, %eq3A_133 : vector<2048x128xf32>
    %jit3A_135 = arith.constant 0.000000e+00 : f32
    %broadcast_in_dim3A_136 = vector.broadcast %jit3A_135 : f32 to vector<2048x128xf32>
    %select_n3A_137 = arith.select %eq3A_134, %get3A_33, %broadcast_in_dim3A_136 : vector<2048x128xi1>, vector<2048x128xf32>
    %get3A_138 = arith.constant 0 : index
    %get3A_139 = arith.constant 0 : index
    %get3A_140 = vector.load %arg3[%get3A_138, %get3A_139] : memref<128x256xf32, #tpu.memory_space<vmem>>, vector<128x256xf32>
    %dot_general3A_141 = arith.constant dense<0.000000e+00> : vector<2048x256xf32>
    %dot_general3A_142 = tpu.matmul %select_n3A_137, %get3A_140, %dot_general3A_141 {dimension_numbers = #tpu.dot_dimension_numbers<[1], [0], [0], [1], [0, 0, 1, 1], [], []>, transpose_lhs_hint = false} : vector<2048x128xf32>, vector<128x256xf32>, vector<2048x256xf32> -> vector<2048x256xf32>
    %get3A_143 = arith.constant 0 : index
    %get3A_144 = arith.constant 0 : index
    %get3A_145 = vector.load %arg4[%get3A_143, %get3A_144] : memref<1x256xf32, #tpu.memory_space<vmem>>, vector<1x256xf32>
    %add3A_146 = vector.broadcast %get3A_145 : vector<1x256xf32> to vector<2048x256xf32>
    %add3A_147 = arith.addf %dot_general3A_142, %add3A_146 : vector<2048x256xf32>
    %mul3A = arith.constant 1.600000e+01 : f32
    %mul3A_148 = vector.broadcast %mul3A : f32 to vector<2048x256xf32>
    %mul3A_149 = arith.mulf %add3A_147, %mul3A_148 : vector<2048x256xf32>
    %swap3A = arith.constant 0 : index
    %swap3A_150 = arith.constant 0 : index
    %swap3A_151 = vector.load %arg6[%swap3A, %swap3A_150] : memref<2048x256xf32, #tpu.memory_space<vmem>>, vector<2048x256xf32>
    tpu.vector_store %arg6[%swap3A, %swap3A_150], %mul3A_149 {strides = array<i32>} : memref<2048x256xf32, #tpu.memory_space<vmem>>, vector<2048x256xf32>,
    return
  }
  func.func @transform_1(%arg0: i32) -> (i32, i32) {
    %c0_i32 = arith.constant 0 : i32
    %c0_i32_0 = arith.constant 0 : i32
    return %arg0, %c0_i32 : i32, i32
  }
  func.func @transform_2(%arg0: i32) -> (i32, i32) {
    %c0_i32 = arith.constant 0 : i32
    %c0_i32_0 = arith.constant 0 : i32
    %c0_i32_1 = arith.constant 0 : i32
    return %c0_i32, %c0_i32_0 : i32, i32
  }
  func.func @transform_3(%arg0: i32) -> (i32, i32) {
    %c0_i32 = arith.constant 0 : i32
    %c0_i32_0 = arith.constant 0 : i32
    %c0_i32_1 = arith.constant 0 : i32
    return %c0_i32, %c0_i32_0 : i32, i32
  }
  func.func @transform_5(%arg0: i32) -> (i32, i32) {
    %add3A = arith.constant 200 : i32
    %add3A_0 = arith.addi %arg0, %add3A : i32
    %c0_i32 = arith.constant 0 : i32
    %c0_i32_1 = arith.constant 0 : i32
    return %add3A_0, %c0_i32 : i32, i32
  }
}

module attributes {stable_mosaic.version = 14 : i64} {
  func.func @body(%arg0: i32, %arg1: memref<204800x128xf32, #tpu.memory_space<hbm>>, %arg2: memref<16x128xi32, #tpu.memory_space<vmem>>, %arg3: memref<128x256xf32, #tpu.memory_space<vmem>>, %arg4: memref<1x256xf32, #tpu.memory_space<vmem>>, %arg5: memref<819200x256xf32, #tpu.memory_space<hbm>>, %arg6: memref<2048x256xf32, #tpu.memory_space<vmem>>, %arg7: memref<2x2048x128xf32, #tpu.memory_space<vmem>>, %arg8: memref<!tpu.dma_semaphore, #tpu.memory_space<semaphore_mem>>, %arg9: memref<!tpu.dma_semaphore, #tpu.memory_space<semaphore_mem>>) attributes {dimension_semantics = [#tpu.dimension_semantics<arbitrary>], iteration_bounds = array<i64: 100>, scalar_prefetch = 0 : i64, scratch_operands = 3 : i64, tpu.core_type = #tpu.core_type<tc>, window_params = [{}, {transform_indices = @transform_1, window_bounds = array<i64: 16, 128>}, {pipeline_mode = #tpu.pipeline_mode<synchronous>, transform_indices = @transform_2, window_bounds = array<i64: 128, 256>}, {pipeline_mode = #tpu.pipeline_mode<synchronous>, transform_indices = @transform_3, window_bounds = array<i64: 1, 256>}, {}, {transform_indices = @transform_5, window_bounds = array<i64: 2048, 256>}]} {
    %rem3A = arith.constant 2 : i32
    %rem3A_0 = arith.remsi %arg0, %rem3A : i32
    %eq3A = arith.constant 0 : i32
    %eq3A_1 = arith.cmpi eq, %arg0, %eq3A : i32
    %convert_element_type3A = arith.extui %eq3A_1 : i1 to i32
    %cond3A = arith.constant 0 : i32
    %cond3A_2 = arith.cmpi ne, %convert_element_type3A, %cond3A : i32
    scf.if %cond3A_2 {
      %dma_start3A = arith.constant 0 : i32
      %dma_start3A_152 = arith.constant 0 : i32
      %dma_start3A_153 = arith.constant 0 : i32
      %dma_start3A_154 = tpu.memref_slice %arg7[%dma_start3A, %dma_start3A_152, %dma_start3A_153] : memref<2x2048x128xf32, #tpu.memory_space<vmem>> -> memref<1x2048x128xf32, #tpu.memory_space<vmem>>
      %dma_start3A_155 = tpu.memref_squeeze %dma_start3A_154 : memref<1x2048x128xf32, #tpu.memory_space<vmem>> -> memref<2048x128xf32, #tpu.memory_space<vmem>>
      %dma_start3A_156 = arith.constant 0 : i32
      %dma_start3A_157 = arith.constant 0 : i32
      %dma_start3A_158 = tpu.memref_slice %arg1[%dma_start3A_156, %dma_start3A_157] : memref<204800x128xf32, #tpu.memory_space<hbm>> -> memref<2048x128xf32, #tpu.memory_space<hbm>>
      tpu.enqueue_dma source(%dma_start3A_158 : memref<2048x128xf32, #tpu.memory_space<hbm>>) target(%dma_start3A_155 : memref<2048x128xf32, #tpu.memory_space<vmem>>) target_semaphore(%arg8 : memref<!tpu.dma_semaphore, #tpu.memory_space<semaphore_mem>>)
    } else {
    }
    %add3A = arith.constant 1 : i32
    %add3A_3 = arith.addi %arg0, %add3A : i32
    %lt3A = arith.constant 100 : i32
    %lt3A_4 = arith.cmpi slt, %add3A_3, %lt3A : i32
    %eq3A_5 = arith.constant 0 : i32
    %eq3A_6 = arith.cmpi eq, %rem3A_0, %eq3A_5 : i32
    %and3A = arith.andi %lt3A_4, %eq3A_6 : i1
    %convert_element_type3A_7 = arith.extui %and3A : i1 to i32
    %cond3A_8 = arith.constant 0 : i32
    %cond3A_9 = arith.cmpi ne, %convert_element_type3A_7, %cond3A_8 : i32
    scf.if %cond3A_9 {
      %add3A_152 = arith.constant 1 : i32
      %add3A_153 = arith.addi %arg0, %add3A_152 : i32
      %mul3A_154 = arith.constant 2048 : i32
      %mul3A_155 = arith.muli %add3A_153, %mul3A_154 : i32
      %dma_start3A = arith.constant 1 : i32
      %dma_start3A_156 = arith.constant 0 : i32
      %dma_start3A_157 = arith.constant 0 : i32
      %dma_start3A_158 = tpu.memref_slice %arg7[%dma_start3A, %dma_start3A_156, %dma_start3A_157] : memref<2x2048x128xf32, #tpu.memory_space<vmem>> -> memref<1x2048x128xf32, #tpu.memory_space<vmem>>
      %dma_start3A_159 = tpu.memref_squeeze %dma_start3A_158 : memref<1x2048x128xf32, #tpu.memory_space<vmem>> -> memref<2048x128xf32, #tpu.memory_space<vmem>>
      %dma_start3A_160 = arith.constant 0 : i32
      %dma_start3A_161 = tpu.memref_slice %arg1[%mul3A_155, %dma_start3A_160] : memref<204800x128xf32, #tpu.memory_space<hbm>> -> memref<2048x128xf32, #tpu.memory_space<hbm>>
      tpu.enqueue_dma source(%dma_start3A_161 : memref<2048x128xf32, #tpu.memory_space<hbm>>) target(%dma_start3A_159 : memref<2048x128xf32, #tpu.memory_space<vmem>>) target_semaphore(%arg9 : memref<!tpu.dma_semaphore, #tpu.memory_space<semaphore_mem>>)
    } else {
    }
    %add3A_10 = arith.constant 1 : i32
    %add3A_11 = arith.addi %arg0, %add3A_10 : i32
    %lt3A_12 = arith.constant 100 : i32
    %lt3A_13 = arith.cmpi slt, %add3A_11, %lt3A_12 : i32
    %eq3A_14 = arith.constant 1 : i32
    %eq3A_15 = arith.cmpi eq, %rem3A_0, %eq3A_14 : i32
    %and3A_16 = arith.andi %lt3A_13, %eq3A_15 : i1
    %convert_element_type3A_17 = arith.extui %and3A_16 : i1 to i32
    %cond3A_18 = arith.constant 0 : i32
    %cond3A_19 = arith.cmpi ne, %convert_element_type3A_17, %cond3A_18 : i32
    scf.if %cond3A_19 {
      %add3A_152 = arith.constant 1 : i32
      %add3A_153 = arith.addi %arg0, %add3A_152 : i32
      %mul3A_154 = arith.constant 2048 : i32
      %mul3A_155 = arith.muli %add3A_153, %mul3A_154 : i32
      %dma_start3A = arith.constant 0 : i32
      %dma_start3A_156 = arith.constant 0 : i32
      %dma_start3A_157 = arith.constant 0 : i32
      %dma_start3A_158 = tpu.memref_slice %arg7[%dma_start3A, %dma_start3A_156, %dma_start3A_157] : memref<2x2048x128xf32, #tpu.memory_space<vmem>> -> memref<1x2048x128xf32, #tpu.memory_space<vmem>>
      %dma_start3A_159 = tpu.memref_squeeze %dma_start3A_158 : memref<1x2048x128xf32, #tpu.memory_space<vmem>> -> memref<2048x128xf32, #tpu.memory_space<vmem>>
      %dma_start3A_160 = arith.constant 0 : i32
      %dma_start3A_161 = tpu.memref_slice %arg1[%mul3A_155, %dma_start3A_160] : memref<204800x128xf32, #tpu.memory_space<hbm>> -> memref<2048x128xf32, #tpu.memory_space<hbm>>
      tpu.enqueue_dma source(%dma_start3A_161 : memref<2048x128xf32, #tpu.memory_space<hbm>>) target(%dma_start3A_159 : memref<2048x128xf32, #tpu.memory_space<vmem>>) target_semaphore(%arg8 : memref<!tpu.dma_semaphore, #tpu.memory_space<semaphore_mem>>)
    } else {
    }
    %eq3A_20 = arith.constant 0 : i32
    %eq3A_21 = arith.cmpi eq, %rem3A_0, %eq3A_20 : i32
    %convert_element_type3A_22 = arith.extui %eq3A_21 : i1 to i32
    %cond3A_23 = arith.constant 0 : i32
    %cond3A_24 = arith.cmpi ne, %convert_element_type3A_22, %cond3A_23 : i32
    scf.if %cond3A_24 {
      %mul3A_152 = arith.constant 2048 : i32
      %mul3A_153 = arith.muli %arg0, %mul3A_152 : i32
      %dma_wait3A = arith.constant 0 : i32
      %dma_wait3A_154 = arith.constant 0 : i32
      %dma_wait3A_155 = arith.constant 0 : i32
      %dma_wait3A_156 = tpu.memref_slice %arg7[%dma_wait3A, %dma_wait3A_154, %dma_wait3A_155] : memref<2x2048x128xf32, #tpu.memory_space<vmem>> -> memref<1x2048x128xf32, #tpu.memory_space<vmem>>
      %dma_wait3A_157 = tpu.memref_squeeze %dma_wait3A_156 : memref<1x2048x128xf32, #tpu.memory_space<vmem>> -> memref<2048x128xf32, #tpu.memory_space<vmem>>
      %dma_wait3A_158 = arith.constant 0 : i32
      %dma_wait3A_159 = tpu.memref_slice %arg1[%mul3A_153, %dma_wait3A_158] : memref<204800x128xf32, #tpu.memory_space<hbm>> -> memref<2048x128xf32, #tpu.memory_space<hbm>>
      tpu.wait_dma2 semaphore(%arg8 : memref<!tpu.dma_semaphore, #tpu.memory_space<semaphore_mem>>) src(%dma_wait3A_159 : memref<2048x128xf32, #tpu.memory_space<hbm>>) dst(%dma_wait3A_157 : memref<2048x128xf32, #tpu.memory_space<vmem>>)
    } else {
    }
    %eq3A_25 = arith.constant 1 : i32
    %eq3A_26 = arith.cmpi eq, %rem3A_0, %eq3A_25 : i32
    %convert_element_type3A_27 = arith.extui %eq3A_26 : i1 to i32
    %cond3A_28 = arith.constant 0 : i32
    %cond3A_29 = arith.cmpi ne, %convert_element_type3A_27, %cond3A_28 : i32
    scf.if %cond3A_29 {
      %mul3A_152 = arith.constant 2048 : i32
      %mul3A_153 = arith.muli %arg0, %mul3A_152 : i32
      %dma_wait3A = arith.constant 1 : i32
      %dma_wait3A_154 = arith.constant 0 : i32
      %dma_wait3A_155 = arith.constant 0 : i32
      %dma_wait3A_156 = tpu.memref_slice %arg7[%dma_wait3A, %dma_wait3A_154, %dma_wait3A_155] : memref<2x2048x128xf32, #tpu.memory_space<vmem>> -> memref<1x2048x128xf32, #tpu.memory_space<vmem>>
      %dma_wait3A_157 = tpu.memref_squeeze %dma_wait3A_156 : memref<1x2048x128xf32, #tpu.memory_space<vmem>> -> memref<2048x128xf32, #tpu.memory_space<vmem>>
      %dma_wait3A_158 = arith.constant 0 : i32
      %dma_wait3A_159 = tpu.memref_slice %arg1[%mul3A_153, %dma_wait3A_158] : memref<204800x128xf32, #tpu.memory_space<hbm>> -> memref<2048x128xf32, #tpu.memory_space<hbm>>
      tpu.wait_dma2 semaphore(%arg9 : memref<!tpu.dma_semaphore, #tpu.memory_space<semaphore_mem>>) src(%dma_wait3A_159 : memref<2048x128xf32, #tpu.memory_space<hbm>>) dst(%dma_wait3A_157 : memref<2048x128xf32, #tpu.memory_space<vmem>>)
    } else {
    }
    %get3A = arith.index_cast %rem3A_0 : i32 to index
    %get3A_30 = arith.constant 0 : index
    %get3A_31 = arith.constant 0 : index
    %get3A_32 = vector.load %arg7[%get3A, %get3A_30, %get3A_31] : memref<2x2048x128xf32, #tpu.memory_space<vmem>>, vector<1x2048x128xf32>
    %get3A_33 = vector.shape_cast %get3A_32 : vector<1x2048x128xf32> to vector<2048x128xf32>
    %get3A_34 = arith.constant 0 : index
    %get3A_35 = arith.constant 0 : index
    %get3A_36 = vector.load %arg2[%get3A_34, %get3A_35] : memref<16x128xi32, #tpu.memory_space<vmem>>, vector<16x128xi32>
    %and3A_37 = arith.constant 1 : i32
    %and3A_38 = vector.broadcast %and3A_37 : i32 to vector<16x128xi32>
    %and3A_39 = arith.andi %get3A_36, %and3A_38 : vector<16x128xi32>
    %convert_element_type3A_40 = arith.sitofp %and3A_39 : vector<16x128xi32> to vector<16x128xf32>
    %iota3A = tpu.iota {dimensions = array<i32: 0>} : vector<2048x16xi32>
    %jit3A = arith.constant 128 : i32
    %div3A = vector.broadcast %jit3A : i32 to vector<2048x16xi32>
    %div3A_41 = arith.divsi %iota3A, %div3A : vector<2048x16xi32>
    %sign3A = arith.constant 0 : i32
    %sign3A_42 = vector.broadcast %sign3A : i32 to vector<2048x16xi32>
    %sign3A_43 = arith.cmpi sgt, %iota3A, %sign3A_42 : vector<2048x16xi32>
    %sign3A_44 = arith.extui %sign3A_43 : vector<2048x16xi1> to vector<2048x16xi32>
    %sign3A_45 = arith.constant 0 : i32
    %sign3A_46 = vector.broadcast %sign3A_45 : i32 to vector<2048x16xi32>
    %sign3A_47 = arith.cmpi slt, %iota3A, %sign3A_46 : vector<2048x16xi32>
    %sign3A_48 = arith.extui %sign3A_47 : vector<2048x16xi1> to vector<2048x16xi32>
    %sign3A_49 = arith.subi %sign3A_44, %sign3A_48 : vector<2048x16xi32>
    %sign3A_50 = arith.constant 0 : i32
    %sign3A_51 = arith.cmpi sgt, %jit3A, %sign3A_50 : i32
    %sign3A_52 = arith.extui %sign3A_51 : i1 to i32
    %sign3A_53 = arith.constant 0 : i32
    %sign3A_54 = arith.cmpi slt, %jit3A, %sign3A_53 : i32
    %sign3A_55 = arith.extui %sign3A_54 : i1 to i32
    %sign3A_56 = arith.subi %sign3A_52, %sign3A_55 : i32
    %ne3A = vector.broadcast %sign3A_56 : i32 to vector<2048x16xi32>
    %ne3A_57 = arith.cmpi ne, %sign3A_49, %ne3A : vector<2048x16xi32>
    %rem3A_58 = vector.broadcast %jit3A : i32 to vector<2048x16xi32>
    %rem3A_59 = arith.remsi %iota3A, %rem3A_58 : vector<2048x16xi32>
    %ne3A_60 = arith.constant 0 : i32
    %ne3A_61 = vector.broadcast %ne3A_60 : i32 to vector<2048x16xi32>
    %ne3A_62 = arith.cmpi ne, %rem3A_59, %ne3A_61 : vector<2048x16xi32>
    %and3A_63 = arith.andi %ne3A_57, %ne3A_62 : vector<2048x16xi1>
    %sub3A = arith.constant 1 : i32
    %sub3A_64 = vector.broadcast %sub3A : i32 to vector<2048x16xi32>
    %sub3A_65 = arith.subi %div3A_41, %sub3A_64 : vector<2048x16xi32>
    %select_n3A = arith.select %and3A_63, %sub3A_65, %div3A_41 : vector<2048x16xi1>, vector<2048x16xi32>
    %iota3A_66 = tpu.iota {dimensions = array<i32: 1>} : vector<2048x16xi32>
    %eq3A_67 = arith.cmpi eq, %select_n3A, %iota3A_66 : vector<2048x16xi32>
    %convert_element_type3A_68 = arith.extui %eq3A_67 : vector<2048x16xi1> to vector<2048x16xi32>
    %convert_element_type3A_69 = arith.sitofp %convert_element_type3A_68 : vector<2048x16xi32> to vector<2048x16xf32>
    %dot_general3A = arith.constant dense<0.000000e+00> : vector<2048x128xf32>
    %dot_general3A_70 = tpu.matmul %convert_element_type3A_69, %convert_element_type3A_40, %dot_general3A {dimension_numbers = #tpu.dot_dimension_numbers<[1], [0], [0], [1], [0, 0, 1, 1], [], []>, transpose_lhs_hint = false} : vector<2048x16xf32>, vector<16x128xf32>, vector<2048x128xf32> -> vector<2048x128xf32>
    %iota3A_71 = tpu.iota {dimensions = array<i32: 0>} : vector<2048x128xi32>
    %jit3A_72 = arith.constant 128 : i32
    %eq3A_73 = arith.constant 0 : i32
    %eq3A_74 = arith.cmpi eq, %jit3A_72, %eq3A_73 : i32
    %jit3A_75 = arith.constant 1 : i32
    %select_n3A_76 = arith.select %eq3A_74, %jit3A_75, %jit3A_72 : i32
    %rem3A_77 = vector.broadcast %select_n3A_76 : i32 to vector<2048x128xi32>
    %rem3A_78 = arith.remsi %iota3A_71, %rem3A_77 : vector<2048x128xi32>
    %ne3A_79 = arith.constant 0 : i32
    %ne3A_80 = vector.broadcast %ne3A_79 : i32 to vector<2048x128xi32>
    %ne3A_81 = arith.cmpi ne, %rem3A_78, %ne3A_80 : vector<2048x128xi32>
    %lt3A_82 = arith.constant 0 : i32
    %lt3A_83 = vector.broadcast %lt3A_82 : i32 to vector<2048x128xi32>
    %lt3A_84 = arith.cmpi slt, %rem3A_78, %lt3A_83 : vector<2048x128xi32>
    %lt3A_85 = arith.constant 0 : i32
    %lt3A_86 = arith.cmpi slt, %select_n3A_76, %lt3A_85 : i32
    %ne3A_87 = vector.broadcast %lt3A_86 : i1 to vector<2048x128xi1>
    %ne3A_88 = vector.broadcast %ne3A_87 : vector<2048x128xi1> to vector<2048x128xi1>
    %ne3A_89 = arith.xori %lt3A_84, %ne3A_88 : vector<2048x128xi1>
    %and3A_90 = arith.andi %ne3A_89, %ne3A_81 : vector<2048x128xi1>
    %add3A_91 = vector.broadcast %select_n3A_76 : i32 to vector<2048x128xi32>
    %add3A_92 = arith.addi %rem3A_78, %add3A_91 : vector<2048x128xi32>
    %select_n3A_93 = arith.select %and3A_90, %add3A_92, %rem3A_78 : vector<2048x128xi1>, vector<2048x128xi32>
    %iota3A_94 = tpu.iota {dimensions = array<i32: 1>} : vector<2048x128xi32>
    %eq3A_95 = arith.cmpi eq, %select_n3A_93, %iota3A_94 : vector<2048x128xi32>
    %jit3A_96 = arith.constant 0.000000e+00 : f32
    %broadcast_in_dim3A = vector.broadcast %jit3A_96 : f32 to vector<2048x128xf32>
    %select_n3A_97 = arith.select %eq3A_95, %dot_general3A_70, %broadcast_in_dim3A : vector<2048x128xi1>, vector<2048x128xf32>
    %reduce_sum3A = arith.constant dense<0.000000e+00> : vector<2048xf32>
    %reduce_sum3A_98 = vector.multi_reduction <add>, %select_n3A_97, %reduce_sum3A [1] : vector<2048x128xf32> to vector<2048xf32>
    %broadcast_in_dim3A_99 = vector.shape_cast %reduce_sum3A_98 : vector<2048xf32> to vector<2048x1xf32>
    %iota3A_100 = tpu.iota {dimensions = array<i32: 1>} : vector<2048x128xi32>
    %jit3A_101 = arith.constant 64 : i32
    %div3A_102 = vector.broadcast %jit3A_101 : i32 to vector<2048x128xi32>
    %div3A_103 = arith.divsi %iota3A_100, %div3A_102 : vector<2048x128xi32>
    %sign3A_104 = arith.constant 0 : i32
    %sign3A_105 = vector.broadcast %sign3A_104 : i32 to vector<2048x128xi32>
    %sign3A_106 = arith.cmpi sgt, %iota3A_100, %sign3A_105 : vector<2048x128xi32>
    %sign3A_107 = arith.extui %sign3A_106 : vector<2048x128xi1> to vector<2048x128xi32>
    %sign3A_108 = arith.constant 0 : i32
    %sign3A_109 = vector.broadcast %sign3A_108 : i32 to vector<2048x128xi32>
    %sign3A_110 = arith.cmpi slt, %iota3A_100, %sign3A_109 : vector<2048x128xi32>
    %sign3A_111 = arith.extui %sign3A_110 : vector<2048x128xi1> to vector<2048x128xi32>
    %sign3A_112 = arith.subi %sign3A_107, %sign3A_111 : vector<2048x128xi32>
    %sign3A_113 = arith.constant 0 : i32
    %sign3A_114 = arith.cmpi sgt, %jit3A_101, %sign3A_113 : i32
    %sign3A_115 = arith.extui %sign3A_114 : i1 to i32
    %sign3A_116 = arith.constant 0 : i32
    %sign3A_117 = arith.cmpi slt, %jit3A_101, %sign3A_116 : i32
    %sign3A_118 = arith.extui %sign3A_117 : i1 to i32
    %sign3A_119 = arith.subi %sign3A_115, %sign3A_118 : i32
    %ne3A_120 = vector.broadcast %sign3A_119 : i32 to vector<2048x128xi32>
    %ne3A_121 = arith.cmpi ne, %sign3A_112, %ne3A_120 : vector<2048x128xi32>
    %rem3A_122 = vector.broadcast %jit3A_101 : i32 to vector<2048x128xi32>
    %rem3A_123 = arith.remsi %iota3A_100, %rem3A_122 : vector<2048x128xi32>
    %ne3A_124 = arith.constant 0 : i32
    %ne3A_125 = vector.broadcast %ne3A_124 : i32 to vector<2048x128xi32>
    %ne3A_126 = arith.cmpi ne, %rem3A_123, %ne3A_125 : vector<2048x128xi32>
    %and3A_127 = arith.andi %ne3A_121, %ne3A_126 : vector<2048x128xi1>
    %sub3A_128 = arith.constant 1 : i32
    %sub3A_129 = vector.broadcast %sub3A_128 : i32 to vector<2048x128xi32>
    %sub3A_130 = arith.subi %div3A_103, %sub3A_129 : vector<2048x128xi32>
    %select_n3A_131 = arith.select %and3A_127, %sub3A_130, %div3A_103 : vector<2048x128xi1>, vector<2048x128xi32>
    %convert_element_type3A_132 = arith.sitofp %select_n3A_131 : vector<2048x128xi32> to vector<2048x128xf32>
    %eq3A_133 = vector.broadcast %broadcast_in_dim3A_99 : vector<2048x1xf32> to vector<2048x128xf32>
    %eq3A_134 = arith.cmpf oeq, %convert_element_type3A_132, %eq3A_133 : vector<2048x128xf32>
    %jit3A_135 = arith.constant 0.000000e+00 : f32
    %broadcast_in_dim3A_136 = vector.broadcast %jit3A_135 : f32 to vector<2048x128xf32>
    %select_n3A_137 = arith.select %eq3A_134, %get3A_33, %broadcast_in_dim3A_136 : vector<2048x128xi1>, vector<2048x128xf32>
    %get3A_138 = arith.constant 0 : index
    %get3A_139 = arith.constant 0 : index
    %get3A_140 = vector.load %arg3[%get3A_138, %get3A_139] : memref<128x256xf32, #tpu.memory_space<vmem>>, vector<128x256xf32>
    %dot_general3A_141 = arith.constant dense<0.000000e+00> : vector<2048x256xf32>
    %dot_general3A_142 = tpu.matmul %select_n3A_137, %get3A_140, %dot_general3A_141 {dimension_numbers = #tpu.dot_dimension_numbers<[1], [0], [0], [1], [0, 0, 1, 1], [], []>, transpose_lhs_hint = false} : vector<2048x128xf32>, vector<128x256xf32>, vector<2048x256xf32> -> vector<2048x256xf32>
    %get3A_143 = arith.constant 0 : index
    %get3A_144 = arith.constant 0 : index
    %get3A_145 = vector.load %arg4[%get3A_143, %get3A_144] : memref<1x256xf32, #tpu.memory_space<vmem>>, vector<1x256xf32>
    %add3A_146 = vector.broadcast %get3A_145 : vector<1x256xf32> to vector<2048x256xf32>
    %add3A_147 = arith.addf %dot_general3A_142, %add3A_146 : vector<2048x256xf32>
    %mul3A = arith.constant 1.600000e+01 : f32
    %mul3A_148 = vector.broadcast %mul3A : f32 to vector<2048x256xf32>
    %mul3A_149 = arith.mulf %add3A_147, %mul3A_148 : vector<2048x256xf32>
    %swap3A = arith.constant 0 : index
    %swap3A_150 = arith.constant 0 : index
    %swap3A_151 = vector.load %arg6[%swap3A, %swap3A_150] : memref<2048x256xf32, #tpu.memory_space<vmem>>, vector<2048x256xf32>
    tpu.vector_store %arg6[%swap3A, %swap3A_150], %mul3A_149 {strides = array<i32>} : memref<2048x256xf32, #tpu.memory_space<vmem>>, vector<2048x256xf32>,
    return
  }
  func.func @transform_1(%arg0: i32) -> (i32, i32) {
    %c0_i32 = arith.constant 0 : i32
    %c0_i32_0 = arith.constant 0 : i32
    return %arg0, %c0_i32 : i32, i32
  }
  func.func @transform_2(%arg0: i32) -> (i32, i32) {
    %c0_i32 = arith.constant 0 : i32
    %c0_i32_0 = arith.constant 0 : i32
    %c0_i32_1 = arith.constant 0 : i32
    return %c0_i32, %c0_i32_0 : i32, i32
  }
  func.func @transform_3(%arg0: i32) -> (i32, i32) {
    %c0_i32 = arith.constant 0 : i32
    %c0_i32_0 = arith.constant 0 : i32
    %c0_i32_1 = arith.constant 0 : i32
    return %c0_i32, %c0_i32_0 : i32, i32
  }
  func.func @transform_5(%arg0: i32) -> (i32, i32) {
    %add3A = arith.constant 300 : i32
    %add3A_0 = arith.addi %arg0, %add3A : i32
    %c0_i32 = arith.constant 0 : i32
    %c0_i32_1 = arith.constant 0 : i32
    return %add3A_0, %c0_i32 : i32, i32
  }
}

</mosaic_0001>

<sc_bundles>
// kernel: kernel.10.cloned.1.call-start
scs
__scs_entry_jumppad:
0x0: {  	(pc) =	sbr.rel $0x88, $3  }
0x1: {  	(tag) =	ssettag $0x0;
	lr =	simm.s32 $0x1  }
0x2: {  	[smem:$0x3F9D] =	sst lr;
	_ =	strace $0xD0000000  }
0x3: {  	_ = 	snop  }
0x4: {  	_ = 	snop  }
0x5: {  	_ = 	snop  }
0x6: {  	_ = 	snop  }
0x7: {  	_ = 	snop  }
__scs_overlays_trampoline_lowered:
0x8: {  	[smem:$0x3FAC] =	sst s0  }
0x9: {  	[smem:$0x3FAD] =	sst s1  }
0xa: {  	[smem:$0x3FAE] =	sst s2  }
0xb: {  	[smem:$0x3FAF] =	sst s3  }
0xc: {  	[smem:$0x3FB0] =	sst s4  }
0xd: {  	[smem:$0x3FB1] =	sst s5  }
0xe: {  	[smem:$0x3FB2] =	sst s6  }
0xf: {  	[smem:$0x3FB3] =	sst s7  }
0x10: {  	[smem:$0x3FB4] =	sst s8  }
0x11: {  	[smem:$0x3FB5] =	sst s9;
	s0 =	simm.s32 @!p0 $0x0  }
0x12: {  	s1 =	sld [smem:$0x3F9B];
	s0 =	simm.s32 @p0 $0x1  }
0x13: {  	[smem:$0x3FB6] =	sst s0;
	s0 =	simm.s32 @!p1 $0x0  }
0x14: {  	s2 =	sld [smem:$0x3F9A];
	s0 =	simm.s32 @p1 $0x1  }
0x15: {  	[smem:$0x3FB7] =	sst s0;
	s0 =	simm.s32 @!p2 $0x0  }
0x16: {  	s3 =	sld [smem:$0x3FDB];
	s0 =	simm.s32 @p2 $0x1  }
0x17: {  	s4 =	simm.s32 $0x1BF5;
	[smem:$0x3FB9] =	sst s0  }
0x18: {  	s0 =	sld [smem:$0x3F9C];
	_ =	swait.ge [sflag:s4], $0x0  }
0x19: {  	s7 =	sld [smem:$0x3F9D]  }
0x1a: {  	s8 =	sadd.s32 $0xFFFFE003, lr  }
0x1b: {  	s9 =	sadd.s32 $0xFFFFFEF7, lr;
	s5 =	simm.s32 $0xFFFFFFFF;
	p2 =	slt.u32 s8, $0xFFFFF086  }
0x1c: {  	p1 =	slt.u32 s9, $0xF7A;
	s5 =	simm.s32 @!p2 $0x0  }
0x1d: {  	s5 =	simm.s32 @p1 $0x1;
	p0 =	seq.s32 s7, s2  }
0x1e: {  	s7 =	smul.u32 @!p0 $0xF7A, s2;
	p2 =	seq.s32 @!p0 s5, $0x0  }
0x1f: {  	s9 =	smul.u32 $0xF7A, s1;
	s8 =	simm.s32 @!p0 $0x1BF5;
	p2 =	por !p2, p0  }
0x20: {  	[sflag:s8] =	ssyncset.s32 @!p0 $0xFFFFF086;
	s6 =	sadd.s32 @!p0 s3, s7;
	s7 =	simm.s32 @!p0 $0x108  }
0x21: {  	s3 =	sadd.s32 s3, s9;
	s6 =	sadd.s32 @!p0 $0x88, s6;
	s7 =	simm.s32 @p2 $0x1082  }
0x22: {  	[simem:s7], [sflag:s8] =	dma.local @!p0 [hbm:s6], $0xF7A  }
0x23: {  	s9 =	sor.u32 $0xD0000000, s2;
	s6 =	simm.s32 $0x108;
	_ =	swait.ge @!p0 [sflag:s8], $0x0  }
0x24: {  	s3 =	sadd.s32 $0x88, s3;
	s6 =	simm.s32 @!p1 $0x1082;
	[sflag:s4] =	ssyncset.s32 $0xFFFFF086  }
0x25: {  	[simem:s6], [sflag:s4] =	dma.local [hbm:s3], $0xF7A  }
0x26: {  	[smem:$0x3F9D] =	sst s1;
	(tag) =	ssettag s2;
	_ =	strace s9  }
0x27: {  	s1 =	sld [smem:$0x3FAD]  }
0x28: {  	s2 =	sld [smem:$0x3FAE]  }
0x29: {  	s4 =	sld [smem:$0x3FB0]  }
0x2a: {  	p0 =	seq.s32 s5, $0x0;
	s5 =	sld [smem:$0x3FB1]  }
0x2b: {  	s6 =	sld [smem:$0x3FB2]  }
0x2c: {  	s7 =	sld [smem:$0x3FB3]  }
0x2d: {  	s3 =	simm.s32 $0x108;
	s8 =	sld [smem:$0x3FB4]  }
0x2e: {  	s3 =	simm.s32 @!p0 $0x1082;
	s9 =	sld [smem:$0x3FB5]  }
0x2f: {  	lr =	sadd.s32 s0, s3;
	s0 =	sld [smem:$0x3FAC]  }
0x30: {  	s3 =	sld [smem:$0x3FAF]  }
0x31: {  	[smem:$0x3FB8] =	sst s10  }
0x32: {  	s10 =	sld [smem:$0x3FB6];
	_ =	sdelay $0x3  }
0x33: {  	p0 =	seq.s32 s10, $0x1;
	s10 =	sld [smem:$0x3FB8];
	_ =	sdelay $0x3  }
0x34: {  	[smem:$0x3FB8] =	sst s10  }
0x35: {  	s10 =	sld [smem:$0x3FB7];
	_ =	sdelay $0x3  }
0x36: {  	p1 =	seq.s32 s10, $0x1;
	s10 =	sld [smem:$0x3FB8];
	_ =	sdelay $0x3  }
0x37: {  	[smem:$0x3FB8] =	sst s10  }
0x38: {  	s10 =	sld [smem:$0x3FB9]  }
0x39: {  	_ = 	snop;
	(pc) =	sbr.ind lr, $3  }
0x3a: {  	_ = 	snop  }
0x3b: {  	_ = 	snop  }
0x3c: {  	p2 =	seq.s32 s10, $0x1;
	s10 =	sld [smem:$0x3FB8]  }
0x3d: {  	_ =	shalt  }
0x3e: {  	_ =	shalt  }
0x3f: {  	_ =	shalt  }
0x40: {  	_ =	shalt  }
0x41: {  	_ =	shalt  }
0x42: {  	_ =	shalt  }
0x43: {  	_ =	shalt  }
0x44: {  	_ =	shalt  }
0x45: {  	_ =	shalt  }
0x46: {  	_ =	shalt  }
0x47: {  	_ =	shalt  }
0x48: {  	_ =	shalt  }
0x49: {  	_ =	shalt  }
0x4a: {  	_ =	shalt  }
0x4b: {  	_ =	shalt  }
0x4c: {  	_ =	shalt  }
0x4d: {  	_ =	shalt  }
0x4e: {  	_ =	shalt  }
0x4f: {  	_ =	shalt  }
0x50: {  	_ =	shalt  }
0x51: {  	_ =	shalt  }
0x52: {  	_ =	shalt  }
0x53: {  	_ =	shalt  }
0x54: {  	_ =	shalt  }
0x55: {  	_ =	shalt  }
0x56: {  	_ =	shalt  }
0x57: {  	_ =	shalt  }
0x58: {  	_ =	shalt  }
0x59: {  	_ =	shalt  }
0x5a: {  	_ =	shalt  }
0x5b: {  	_ =	shalt  }
0x5c: {  	_ =	shalt  }
0x5d: {  	_ =	shalt  }
0x5e: {  	_ =	shalt  }
0x5f: {  	_ =	shalt  }
0x60: {  	_ =	shalt  }
0x61: {  	_ =	shalt  }
0x62: {  	_ =	shalt  }
0x63: {  	_ =	shalt  }
0x64: {  	_ =	shalt  }
0x65: {  	_ =	shalt  }
0x66: {  	_ =	shalt  }
0x67: {  	_ =	shalt  }
0x68: {  	_ =	shalt  }
0x69: {  	_ =	shalt  }
0x6a: {  	_ =	shalt  }
0x6b: {  	_ =	shalt  }
0x6c: {  	_ =	shalt  }
0x6d: {  	_ =	shalt  }
0x6e: {  	_ =	shalt  }
0x6f: {  	_ =	shalt  }
0x70: {  	_ =	shalt  }
0x71: {  	_ =	shalt  }
0x72: {  	_ =	shalt  }
0x73: {  	_ =	shalt  }
0x74: {  	_ =	shalt  }
0x75: {  	_ =	shalt  }
0x76: {  	_ =	shalt  }
0x77: {  	_ =	shalt  }
0x78: {  	_ =	shalt  }
0x79: {  	_ =	shalt  }
0x7a: {  	_ =	shalt  }
0x7b: {  	_ =	shalt  }
0x7c: {  	_ =	shalt  }
0x7d: {  	_ =	shalt  }
0x7e: {  	_ =	shalt  }
0x7f: {  	_ =	shalt  }
0x80: {  	_ =	shalt  }
0x81: {  	_ =	shalt  }
0x82: {  	_ =	shalt  }
0x83: {  	_ =	shalt  }
0x84: {  	_ =	shalt  }
0x85: {  	_ =	shalt  }
0x86: {  	_ =	shalt  }
0x87: {  	_ =	shalt  }
.Lfunc_end0:
.L_simem_size_0:
called_computation_lowered:
.L_overlay_start_0:
0x88: {  	s2 =	sld [smem:$0x3FD9]  }
0x89: {  	s3 =	sld [smem:$0x3FFE];
	_ =	sdelay $0x1  }
0x8a: {  	s1 =	srdreg.scid  }
0x8b: {  	s0 =	sand.u32 $0x1, s1  }
0x8c: {  	s16 =	sshll.u32 s0, $0xA;
	s2 =	sadd.s32 s3, s2  }
0x8d: {  	s2 =	sadd.s32 s2, s16  }
0x8e: {  	[smem:$0x3FC4] =	sst s2  }
0x8f: {  	_ = 	snop  }
0x90: {  	(tm) =	ssettm $0x1  }
0x91: {  	s17 =	sld [smem:$0x3FFB];
	_ =	sdelay $0x3  }
0x92: {  	_ =	strace s17  }
0x93: {  	s2 =	sld [smem:$0x3FFC];
	_ =	sdelay $0x3  }
0x94: {  	_ =	strace s2  }
0x95: {  	s2 =	sld [smem:$0x3FFD];
	_ =	sdelay $0x3  }
0x96: {  	_ =	strace s2  }
0x97: {  	_ =	strace $0x8FFFFFFF  }
0x98: {  	s18 =	sld [smem:$0x3FDB];
	_ =	sdelay $0x1  }
0x99: {  	s19 =	simm.s32 $_scs_section_size  }
0x9a: {  	s4 =	simm.s32 $_size__tile_overlayer_lowered;
	s5 =	simm.s32 $_tile_overlayer_lowered  }
0x9b: {  	s22 =	simm.s32 $0x1BFF;
	s21 =	sshll.u32 s5, $0x1;
	s2 =	sadd.s32 s19, s18  }
0x9c: {  	s6 =	simm.s32 $0x0;
	s20 =	sshll.u32 s4, $0x1;
	s4 =	sadd.s32 s21, s2  }
0x9d: {  	[timem:s6], [sflag:s22] =	dma.local [hbm:s4], s20  }
0x9e: {  	_ =	swait.ge [sflag:s22], s20  }
0x9f: {  	s3 =	ssub.s32 $0x0, s20;
	[sflag:s22] =	ssyncset.done $0x0  }
0xa0: {  	[sflag:s22] =	ssyncadd.s32 s3;
	_ =	sdelay $0x1  }
0xa1: {  	s23 =	simm.s32 $0x1B8B  }
0xa2: {  	_ =	swait.ge [sflag:s23], $0x1  }
0xa3: {  	[sflag:s23] =	ssyncset.done $0x0  }
0xa4: {  	s25 =	simm.s32 $0x1B8E;
	s24 =	sld [smem:$0x3FFE];
	[sflag:s23] =	ssyncadd.s32 $0xFFFFFFFF  }
0xa5: {  	s26 =	simm.s32 $execute0_lowered;
	[smem:$0x3FD2] =	sst s25  }
0xa6: {  	s4 =	sshll.u32 s26, $0x1;
	_ =	strace $0x80000046;
	[dreg:$0x1] =	wrdreg $0xFFFFFFFF  }
0xa7: {  	s28 =	simm.s32 $_size_execute0_lowered;
	s2 =	sadd.s32 s2, s4;
	[dreg:$0x0] =	wrdreg $0x0  }
0xa8: {  	s4 =	sshll.u32 s28, $0x1;
	[dreg:$0x2] =	wrdreg s2  }
0xa9: {  	[dreg:$0x3] =	wrdreg s4  }
0xaa: {  	[dreg:$0x4] =	wrdreg $0xC0  }
0xab: {  	_ =	task [dreg:s6], $0x5FFFF  }
0xac: {  	[dreg:$0x1] =	wrdreg $0xFFFFFFFF  }
0xad: {  	[dreg:$0x0] =	wrdreg $0x60  }
0xae: {  	[dreg:$0x2] =	wrdreg s24  }
0xaf: {  	[dreg:$0x3] =	wrdreg $0x9  }
0xb0: {  	_ =	task.clear_ibuf [dreg:s6], $0x4FFFF;
	_ =	strace $0x90000046  }
0xb1: {  	s29 =	simm.s32 $0x9;
	_ =	strace $0x80000048  }
0xb2: {  	_ =	swait.ge [sflag:s29], $0x1  }
0xb3: {  	[sflag:s29] =	ssyncadd.s32 $0xFFFFFFFF  }
0xb4: {  	_ =	strace $0x90000048  }
0xb5: {  	_ =	sfence  }
0xb6: {  	s30 =	sld [smem:$0x0];
	_ =	sdelay $0x2  }
0xb7: {  	s31 =	sshll.u32 s1, $0xD;
	s1 =	sshrl.u32 s1, $0x2  }
0xb8: {  	s3 =	sand.u32 $0x4000, s31;
	s1 =	sadd.s32 s1, s30  }
0xb9: {  	s0 =	sor.u32 s3, s0;
	s1 =	sshll.u32 s1, $0x11  }
0xba: {  	s0 =	sor.u32 s1, s0  }
0xbb: {  	s0 =	sadd.s32 $0x8F2B, s0  }
0xbc: {  	[sflag:s0] =	ssyncadd.remote.s32 $0x1  }
0xbd: {  	_ =	sfence.sel $0xFFFF  }
0xbe: {  	[dreg:$0x0] =	wrdreg $0xFFFFFFFF;
	(pc) =	sbr.abs _section_cstart, $3  }
0xbf: {  	[dreg:$0x1] =	wrdreg $0xFFFFFFFF  }
0xc0: {  	_ =	task.clear_ibuf [dreg:s6], $0x2FFFF;
	_ =	strace $0x9FFFFFFF  }
0xc1: {  	(tm) =	ssettm $0x7FFFFFFF  }
tec
execute0_lowered:
.L_overlay_start_1:
0x0: {  	(tag) =	ssettag $0x1  }
0x1: {  	s1 =	srdreg.scid  }
0x2: {  	s0 =	stileid.u32;
	s4 =	rddreg [dreg:$0x0]  }
0x3: {  	s2 =	simm.s32 $0x0;
	s13 =	simm.s32 $0x5900;
	s14 =	simm.s32 $0x1  }
0x4: {  	s15 =	simm.s32 $0x2;
	s16 =	simm.s32 $0x1880;
	s25 =	smul.u32 $0x190000, s0  }
0x5: {  	s17 =	simm.s32 $0x0;
	s7 =	sand.u32 $0x1, s1;
	s29 =	smul.u32 $0x32000, s0  }
0x6: {  	s3 =	sshll.u32 s0, $0x1;
	s1 =	rddreg [dreg:$0x1];
	s28 =	smul.u32 $0xC8000, s7  }
0x7: {  	[smem:$0x7FF] =	sst s2;
	s5 =	sor.u32 s7, s3;
	s30 =	smul.u32 $0x19000, s7  }
0x8: {  	s12 =	sadd.s32 $0x7B0200, s4;
	s8 =	ssub.s32 $0x2, s7;
	s6 =	smul.u32 $0x1900, s5  }
0x9: {  	_ =	strace $0x80000047;
	s9 =	smul.u32 $0xC8000, s5;
	s10 =	sshrl.u32 s8, $0x1  }
0xa: {  	s3 =	sadd.s32 $0xF000, s4;
	s11 =	smul.u32 $0x19000, s5;
	s24 =	ssub.s32 s8, s10  }
0xb: {  	s8 =	sadd.s32 s28, s25;
	s10 =	sadd.s32 s29, s12;
	s6 =	sshrl.u32 s6, $0x3  }
0xc: {  	s26 =	sshrl.u32 s9, $0x3;
	s5 =	smax.u32 s24, $0x1;
	s31 =	sadd.s32 s12, s11  }
0xd: {  	s8 =	sshrl.u32 s8, $0x3;
	s9 =	sadd.s32 s30, s10;
	s10 =	simm.s32 $0x3  }
0xe: {  	s11 =	simm.s32 $0x1900;
	s6 =	sadd.s32 s6, s4;
	s7 =	sadd.s32 $0x18800, s31  }
0xf: {  	s8 =	sadd.s32 s8, s12;
	s4 =	sadd.s32 $0x8C00, s6;
	s6 =	sadd.s32 s12, s26  }
0x10: {  	s9 =	sadd.s32 $0x800, s9;
	s12 =	simm.s32 $0x80;
	s6 =	sadd.s32 $0x18000, s6  }
.LBB2_1:
0x11: {  	[tilespmem:s2], [sflag:$0x3] =	stream.linear.gather [hbm4b:s4+s2], $0x1900, $0x38;
	[tilespmem:$0x9900] =	vst v63  }
0x12: {  	_ =	swait.ge [sflag:s10], $0x1900  }
0x13: {  	[sflag:s10] =	ssyncset.done $0x0  }
0x14: {  	[sflag:s10] =	ssyncadd.s32 $0xFFFFE700  }
0x15: {  	[tilespmem:s11], [sflag:$0x1] =	stream.indirect.gather [hbm4b:s3+s12], $0x80, s2, s12, $0xb8;
	[tilespmem:$0x9900] =	vst v63  }
0x16: {  	_ = 	snop  }
0x17: {  	[tilespmem:s13], [sflag:$0x2] =	stream.indirect.gather [hbm4b:s3+s12], $0x80, s12, s12, $0xb8;
	[tilespmem:$0x9900] =	vst v63  }
0x18: {  	_ =	swait.ge [sflag:s14], $0x4000  }
0x19: {  	[sflag:s14] =	ssyncset.done $0x0  }
0x1a: {  	s18 =	sadd.s32 $0x0, s8;
	[sflag:s14] =	ssyncadd.s32 $0xFFFFC000  }
0x1b: {  	[hbm4b:s18+s2] =	stream.linear.scatter [tilespmem:s11], [sflag:$0x3], $0x4000, $0x38;
	[tilespmem:$0x9900] =	vst v63  }
0x1c: {  	_ =	swait.ge [sflag:s10], $0x4000  }
0x1d: {  	[sflag:s10] =	ssyncset.done $0x0  }
0x1e: {  	s30 =	simm.s32 $0x100;
	[sflag:s10] =	ssyncadd.s32 $0xFFFFC000  }
0x1f: {  	[tilespmem:s11], [sflag:$0x1] =	stream.indirect.gather [hbm4b:s3+s12], $0x80, s30, s12, $0xb8;
	[tilespmem:$0x9900] =	vst v63  }
0x20: {  	_ =	swait.ge [sflag:s15], $0x4000  }
0x21: {  	[sflag:s15] =	ssyncset.done $0x0  }
0x22: {  	s31 =	sadd.s32 $0x0, s9;
	[sflag:s15] =	ssyncadd.s32 $0xFFFFC000  }
0x23: {  	[hbm4b:s31+s2] =	stream.linear.scatter [tilespmem:s13], [sflag:$0x3], $0x4000, $0x38;
	[tilespmem:$0x9900] =	vst v63  }
0x24: {  	_ =	swait.ge [sflag:s10], $0x4000  }
0x25: {  	s19 =	simm.s32 $0x80;
	s18 =	simm.s32 $0x1000;
	[sflag:s10] =	ssyncset.done $0x0  }
.LBB2_2:
0x26: {  	p0 =	sne.s32 s18, $0x17000;
	[sflag:s10] =	ssyncadd.s32 $0xFFFFC000;
	s19 =	sadd.s32 $0x100, s19  }
0x27: {  	[tilespmem:s13], [sflag:$0x2] =	stream.indirect.gather [hbm4b:s3+s12], $0x80, s19, s12, $0xb8;
	[tilespmem:$0x9900] =	vst v63  }
0x28: {  	s20 =	smov.u32 s18;
	s18 =	sadd.s32 $0x1000, s18;
	_ =	swait.ge [sflag:s14], $0x4000  }
0x29: {  	[sflag:s14] =	ssyncset.done $0x0  }
0x2a: {  	s21 =	sadd.s32 s20, s8;
	[sflag:s14] =	ssyncadd.s32 $0xFFFFC000  }
0x2b: {  	[hbm4b:s21+s2] =	stream.linear.scatter [tilespmem:s11], [sflag:$0x3], $0x4000, $0x38;
	[tilespmem:$0x9900] =	vst v63  }
0x2c: {  	_ =	swait.ge [sflag:s10], $0x4000  }
0x2d: {  	[sflag:s10] =	ssyncset.done $0x0  }
0x2e: {  	s21 =	sadd.s32 $0x80, s19;
	[sflag:s10] =	ssyncadd.s32 $0xFFFFC000  }
0x2f: {  	[tilespmem:s11], [sflag:$0x1] =	stream.indirect.gather [hbm4b:s3+s12], $0x80, s21, s12, $0xb8;
	[tilespmem:$0x9900] =	vst v63  }
0x30: {  	_ =	swait.ge [sflag:s15], $0x4000  }
.Ltmp0:
0x31: {  	[sflag:s15] =	ssyncset.done $0x0;
	(pc) =	sbr.rel @p0 .LBB2_2-.Ltmp0, $4  }
0x32: {  	s20 =	sadd.s32 s20, s9;
	[sflag:s15] =	ssyncadd.s32 $0xFFFFC000  }
0x33: {  	[hbm4b:s20+s2] =	stream.linear.scatter [tilespmem:s13], [sflag:$0x3], $0x4000, $0x38;
	[tilespmem:$0x9900] =	vst v63  }
0x34: {  	_ =	swait.ge [sflag:s10], $0x4000  }
0x35: {  	[sflag:s10] =	ssyncset.done $0x0  }
0x36: {  	[sflag:s10] =	ssyncadd.s32 $0xFFFFC000  }
0x37: {  	[tilespmem:s13], [sflag:$0x2] =	stream.indirect.gather [hbm4b:s3+s12], $0x80, s16, s12, $0xb8;
	[tilespmem:$0x9900] =	vst v63  }
0x38: {  	_ =	swait.ge [sflag:s14], $0x4000  }
0x39: {  	[sflag:s14] =	ssyncset.done $0x0  }
0x3a: {  	[sflag:s14] =	ssyncadd.s32 $0xFFFFC000  }
0x3b: {  	[hbm4b:s6+s2] =	stream.linear.scatter [tilespmem:s11], [sflag:$0x3], $0x4000, $0x38;
	[tilespmem:$0x9900] =	vst v63  }
0x3c: {  	_ =	swait.ge [sflag:s10], $0x4000  }
0x3d: {  	[sflag:s10] =	ssyncset.done $0x0  }
0x3e: {  	[sflag:s10] =	ssyncadd.s32 $0xFFFFC000  }
0x3f: {  	s17 =	sadd.s32 $0x1, s17;
	_ =	swait.ge [sflag:s15], $0x4000  }
0x40: {  	p0 =	sne.s32 s17, s5;
	[sflag:s15] =	ssyncset.done $0x0  }
.Ltmp1:
0x41: {  	[sflag:s15] =	ssyncadd.s32 $0xFFFFC000;
	(pc) =	sbr.rel @p0 .LBB2_1-.Ltmp1, $4  }
0x42: {  	[hbm4b:s7+s2] =	stream.linear.scatter [tilespmem:s13], [sflag:$0x3], $0x4000, $0x38;
	[tilespmem:$0x9900] =	vst v63  }
0x43: {  	_ =	swait.ge [sflag:s10], $0x4000  }
0x44: {  	[sflag:s10] =	ssyncset.done $0x0  }
0x45: {  	[sflag:s10] =	ssyncadd.s32 $0xFFFFC000  }
0x46: {  	_ =	sfence.sel $0x180000  }
0x47: {  	[bflag:$0x0] =	sbarrier.arrive $0xFFFF  }
0x48: {  	p0 =	sne.s32 s0, $0x0;
	_ =	strace $0x90000047  }
0x49: {  	s0 =	sadd.s32 @!p0 $0x100000, s1;
	[bflag:$0x2] =	sbarrier.arrive $0xFFFF  }
0x4a: {  	[sflag:s0] =	ssyncadd.tile.s32 @!p0 $0x1;
	_ =	shalt  }
.Lfunc_end2:
_tile_overlayer_lowered:
.L_overlay_start_2:
0x4b: {  	(tag) =	ssettag $0x2  }
0x4c: {  	s0 =	rddreg [dreg:$0x0];
	s2 =	stileid.u32  }
0x4d: {  	s1 =	rddreg [dreg:$0x1];
	p0 =	sne.s32 s2, $0x0  }
0x4e: {  	s3 =	rddreg [dreg:$0x2];
	[bflag:$0x3] =	sbarrier.arrive $0xFFFF;
	s2 =	simm.s32 @!p0 $0x1C03  }
0x4f: {  	[timem:s3], [sflag:s2] =	dma.local @!p0 [hbm:s0], s1  }
0x50: {  	s0 =	simm.s32 @!p0 $0x3  }
0x51: {  	_ =	swait.ge @!p0 [sflag:s0], s1  }
0x52: {  	s1 =	ssub.s32 @!p0 $0x0, s1;
	[sflag:s0] =	ssyncset.done @!p0 $0x0  }
0x53: {  	[sflag:s0] =	ssyncadd.s32 @!p0 s1  }
0x54: {  	[bflag:$0x3] =	sbarrier.arrive $0xFFFF  }
0x55: {  	_ =	shalt  }

// kernel: kernel.13.cloned.1.call-start
scs
__scs_entry_jumppad:
0x0: {  	(pc) =	sbr.rel $0x88, $3  }
0x1: {  	(tag) =	ssettag $0x0;
	lr =	simm.s32 $0x1  }
0x2: {  	[smem:$0x3F9D] =	sst lr;
	_ =	strace $0xD0000000  }
0x3: {  	_ = 	snop  }
0x4: {  	_ = 	snop  }
0x5: {  	_ = 	snop  }
0x6: {  	_ = 	snop  }
0x7: {  	_ = 	snop  }
__scs_overlays_trampoline_lowered:
0x8: {  	[smem:$0x3FAC] =	sst s0  }
0x9: {  	[smem:$0x3FAD] =	sst s1  }
0xa: {  	[smem:$0x3FAE] =	sst s2  }
0xb: {  	[smem:$0x3FAF] =	sst s3  }
0xc: {  	[smem:$0x3FB0] =	sst s4  }
0xd: {  	[smem:$0x3FB1] =	sst s5  }
0xe: {  	[smem:$0x3FB2] =	sst s6  }
0xf: {  	[smem:$0x3FB3] =	sst s7  }
0x10: {  	[smem:$0x3FB4] =	sst s8  }
0x11: {  	[smem:$0x3FB5] =	sst s9;
	s0 =	simm.s32 @!p0 $0x0  }
0x12: {  	s1 =	sld [smem:$0x3F9B];
	s0 =	simm.s32 @p0 $0x1  }
0x13: {  	[smem:$0x3FB6] =	sst s0;
	s0 =	simm.s32 @!p1 $0x0  }
0x14: {  	s2 =	sld [smem:$0x3F9A];
	s0 =	simm.s32 @p1 $0x1  }
0x15: {  	[smem:$0x3FB7] =	sst s0;
	s0 =	simm.s32 @!p2 $0x0  }
0x16: {  	s3 =	sld [smem:$0x3FDB];
	s0 =	simm.s32 @p2 $0x1  }
0x17: {  	s4 =	simm.s32 $0x1BF5;
	[smem:$0x3FB9] =	sst s0  }
0x18: {  	s0 =	sld [smem:$0x3F9C];
	_ =	swait.ge [sflag:s4], $0x0  }
0x19: {  	s7 =	sld [smem:$0x3F9D]  }
0x1a: {  	s8 =	sadd.s32 $0xFFFFE003, lr  }
0x1b: {  	s9 =	sadd.s32 $0xFFFFFEF7, lr;
	s5 =	simm.s32 $0xFFFFFFFF;
	p2 =	slt.u32 s8, $0xFFFFF086  }
0x1c: {  	p1 =	slt.u32 s9, $0xF7A;
	s5 =	simm.s32 @!p2 $0x0  }
0x1d: {  	s5 =	simm.s32 @p1 $0x1;
	p0 =	seq.s32 s7, s2  }
0x1e: {  	s7 =	smul.u32 @!p0 $0xF7A, s2;
	p2 =	seq.s32 @!p0 s5, $0x0  }
0x1f: {  	s9 =	smul.u32 $0xF7A, s1;
	s8 =	simm.s32 @!p0 $0x1BF5;
	p2 =	por !p2, p0  }
0x20: {  	[sflag:s8] =	ssyncset.s32 @!p0 $0xFFFFF086;
	s6 =	sadd.s32 @!p0 s3, s7;
	s7 =	simm.s32 @!p0 $0x108  }
0x21: {  	s3 =	sadd.s32 s3, s9;
	s6 =	sadd.s32 @!p0 $0x88, s6;
	s7 =	simm.s32 @p2 $0x1082  }
0x22: {  	[simem:s7], [sflag:s8] =	dma.local @!p0 [hbm:s6], $0xF7A  }
0x23: {  	s9 =	sor.u32 $0xD0000000, s2;
	s6 =	simm.s32 $0x108;
	_ =	swait.ge @!p0 [sflag:s8], $0x0  }
0x24: {  	s3 =	sadd.s32 $0x88, s3;
	s6 =	simm.s32 @!p1 $0x1082;
	[sflag:s4] =	ssyncset.s32 $0xFFFFF086  }
0x25: {  	[simem:s6], [sflag:s4] =	dma.local [hbm:s3], $0xF7A  }
0x26: {  	[smem:$0x3F9D] =	sst s1;
	(tag) =	ssettag s2;
	_ =	strace s9  }
0x27: {  	s1 =	sld [smem:$0x3FAD]  }
0x28: {  	s2 =	sld [smem:$0x3FAE]  }
0x29: {  	s4 =	sld [smem:$0x3FB0]  }
0x2a: {  	p0 =	seq.s32 s5, $0x0;
	s5 =	sld [smem:$0x3FB1]  }
0x2b: {  	s6 =	sld [smem:$0x3FB2]  }
0x2c: {  	s7 =	sld [smem:$0x3FB3]  }
0x2d: {  	s3 =	simm.s32 $0x108;
	s8 =	sld [smem:$0x3FB4]  }
0x2e: {  	s3 =	simm.s32 @!p0 $0x1082;
	s9 =	sld [smem:$0x3FB5]  }
0x2f: {  	lr =	sadd.s32 s0, s3;
	s0 =	sld [smem:$0x3FAC]  }
0x30: {  	s3 =	sld [smem:$0x3FAF]  }
0x31: {  	[smem:$0x3FB8] =	sst s10  }
0x32: {  	s10 =	sld [smem:$0x3FB6];
	_ =	sdelay $0x3  }
0x33: {  	p0 =	seq.s32 s10, $0x1;
	s10 =	sld [smem:$0x3FB8];
	_ =	sdelay $0x3  }
0x34: {  	[smem:$0x3FB8] =	sst s10  }
0x35: {  	s10 =	sld [smem:$0x3FB7];
	_ =	sdelay $0x3  }
0x36: {  	p1 =	seq.s32 s10, $0x1;
	s10 =	sld [smem:$0x3FB8];
	_ =	sdelay $0x3  }
0x37: {  	[smem:$0x3FB8] =	sst s10  }
0x38: {  	s10 =	sld [smem:$0x3FB9]  }
0x39: {  	_ = 	snop;
	(pc) =	sbr.ind lr, $3  }
0x3a: {  	_ = 	snop  }
0x3b: {  	_ = 	snop  }
0x3c: {  	p2 =	seq.s32 s10, $0x1;
	s10 =	sld [smem:$0x3FB8]  }
0x3d: {  	_ =	shalt  }
0x3e: {  	_ =	shalt  }
0x3f: {  	_ =	shalt  }
0x40: {  	_ =	shalt  }
0x41: {  	_ =	shalt  }
0x42: {  	_ =	shalt  }
0x43: {  	_ =	shalt  }
0x44: {  	_ =	shalt  }
0x45: {  	_ =	shalt  }
0x46: {  	_ =	shalt  }
0x47: {  	_ =	shalt  }
0x48: {  	_ =	shalt  }
0x49: {  	_ =	shalt  }
0x4a: {  	_ =	shalt  }
0x4b: {  	_ =	shalt  }
0x4c: {  	_ =	shalt  }
0x4d: {  	_ =	shalt  }
0x4e: {  	_ =	shalt  }
0x4f: {  	_ =	shalt  }
0x50: {  	_ =	shalt  }
0x51: {  	_ =	shalt  }
0x52: {  	_ =	shalt  }
0x53: {  	_ =	shalt  }
0x54: {  	_ =	shalt  }
0x55: {  	_ =	shalt  }
0x56: {  	_ =	shalt  }
0x57: {  	_ =	shalt  }
0x58: {  	_ =	shalt  }
0x59: {  	_ =	shalt  }
0x5a: {  	_ =	shalt  }
0x5b: {  	_ =	shalt  }
0x5c: {  	_ =	shalt  }
0x5d: {  	_ =	shalt  }
0x5e: {  	_ =	shalt  }
0x5f: {  	_ =	shalt  }
0x60: {  	_ =	shalt  }
0x61: {  	_ =	shalt  }
0x62: {  	_ =	shalt  }
0x63: {  	_ =	shalt  }
0x64: {  	_ =	shalt  }
0x65: {  	_ =	shalt  }
0x66: {  	_ =	shalt  }
0x67: {  	_ =	shalt  }
0x68: {  	_ =	shalt  }
0x69: {  	_ =	shalt  }
0x6a: {  	_ =	shalt  }
0x6b: {  	_ =	shalt  }
0x6c: {  	_ =	shalt  }
0x6d: {  	_ =	shalt  }
0x6e: {  	_ =	shalt  }
0x6f: {  	_ =	shalt  }
0x70: {  	_ =	shalt  }
0x71: {  	_ =	shalt  }
0x72: {  	_ =	shalt  }
0x73: {  	_ =	shalt  }
0x74: {  	_ =	shalt  }
0x75: {  	_ =	shalt  }
0x76: {  	_ =	shalt  }
0x77: {  	_ =	shalt  }
0x78: {  	_ =	shalt  }
0x79: {  	_ =	shalt  }
0x7a: {  	_ =	shalt  }
0x7b: {  	_ =	shalt  }
0x7c: {  	_ =	shalt  }
0x7d: {  	_ =	shalt  }
0x7e: {  	_ =	shalt  }
0x7f: {  	_ =	shalt  }
0x80: {  	_ =	shalt  }
0x81: {  	_ =	shalt  }
0x82: {  	_ =	shalt  }
0x83: {  	_ =	shalt  }
0x84: {  	_ =	shalt  }
0x85: {  	_ =	shalt  }
0x86: {  	_ =	shalt  }
0x87: {  	_ =	shalt  }
.Lfunc_end0:
.L_simem_size_0:
called_computation.1_lowered:
.L_overlay_start_0:
0x88: {  	s2 =	sld [smem:$0x3FD9]  }
0x89: {  	s3 =	sld [smem:$0x3FFE];
	_ =	sdelay $0x1  }
0x8a: {  	s1 =	srdreg.scid  }
0x8b: {  	s0 =	sand.u32 $0x1, s1  }
0x8c: {  	s17 =	sshll.u32 s0, $0xA;
	s2 =	sadd.s32 s3, s2  }
0x8d: {  	s2 =	sadd.s32 s2, s17  }
0x8e: {  	[smem:$0x3FC4] =	sst s2  }
0x8f: {  	_ = 	snop  }
0x90: {  	(tm) =	ssettm $0x1  }
0x91: {  	s18 =	sld [smem:$0x3FFB];
	_ =	sdelay $0x3  }
0x92: {  	_ =	strace s18  }
0x93: {  	s2 =	sld [smem:$0x3FFC];
	_ =	sdelay $0x3  }
0x94: {  	_ =	strace s2  }
0x95: {  	s2 =	sld [smem:$0x3FFD];
	_ =	sdelay $0x3  }
0x96: {  	_ =	strace s2  }
0x97: {  	_ =	strace $0x8FFFFFFF  }
0x98: {  	s19 =	sld [smem:$0x3FDB];
	_ =	sdelay $0x1  }
0x99: {  	s20 =	simm.s32 $_scs_section_size  }
0x9a: {  	s4 =	simm.s32 $_size__tile_overlayer_lowered;
	s5 =	simm.s32 $_tile_overlayer_lowered  }
0x9b: {  	s6 =	simm.s32 $0x1BFF;
	s21 =	sshll.u32 s5, $0x1;
	s3 =	sadd.s32 s20, s19  }
0x9c: {  	s22 =	simm.s32 $0x0;
	s4 =	sshll.u32 s4, $0x1;
	s5 =	sadd.s32 s21, s3  }
0x9d: {  	[timem:s22], [sflag:s6] =	dma.local [hbm:s5], s4  }
0x9e: {  	_ =	swait.ge [sflag:s6], s4  }
0x9f: {  	s4 =	ssub.s32 $0x0, s4;
	[sflag:s6] =	ssyncset.done $0x0  }
0xa0: {  	[sflag:s6] =	ssyncadd.s32 s4;
	_ =	sdelay $0x1  }
0xa1: {  	s23 =	simm.s32 $0x1B8B  }
0xa2: {  	_ =	swait.ge [sflag:s23], $0x1  }
0xa3: {  	[sflag:s23] =	ssyncset.done $0x0  }
0xa4: {  	[sflag:s23] =	ssyncadd.s32 $0xFFFFFFFF  }
0xa5: {  	s4 =	sld [smem:$0x0]  }
0xa6: {  	s5 =	sand.u32 $0xFFFFFFFE, s1  }
0xa7: {  	p0 =	sne.s32 s1, s5  }
0xa8: {  	s5 =	sshll.u32 @p0 s5, $0xE  }
0xa9: {  	s5 =	sadd.s32 @p0 $0x11B8D, s5;
	s6 =	sshll.u32 @p0 s4, $0x11  }
0xaa: {  	s5 =	sor.u32 @p0 s6, s5  }
0xab: {  	[sflag:s5] =	ssyncadd.remote.s32 @p0 $0x1;
	_ =	sdelay $0x1  }
0xac: {  	s5 =	simm.s32 @p0 $0x1B8D  }
0xad: {  	_ =	swait.eq @p0 [sflag:s5], $0x1  }
0xae: {  	[sflag:s5] =	ssyncadd.s32 @p0 $0xFFFFFFFF  }
0xaf: {  	s6 =	sshll.u32 @!p0 s1, $0xE  }
0xb0: {  	s6 =	sor.u32 @!p0 $0x4000, s6;
	s5 =	simm.s32 @!p0 $0x1B8D  }
0xb1: {  	s4 =	sshll.u32 @!p0 s4, $0x11;
	s6 =	sadd.s32 @!p0 $0x11B8D, s6;
	_ =	swait.eq @!p0 [sflag:s5], $0x1  }
0xb2: {  	s4 =	sor.u32 @!p0 s4, s6;
	[sflag:s5] =	ssyncadd.s32 @!p0 $0xFFFFFFFF  }
0xb3: {  	s25 =	simm.s32 $0x1B8E;
	s24 =	sld [smem:$0x3FFE];
	[sflag:s4] =	ssyncadd.remote.s32 @!p0 $0x1  }
0xb4: {  	s26 =	simm.s32 $execute0_lowered;
	[smem:$0x3FD2] =	sst s25  }
0xb5: {  	s5 =	sshll.u32 s26, $0x1;
	_ =	strace $0x80000049;
	[dreg:$0x1] =	wrdreg $0xFFFFFFFF  }
0xb6: {  	s28 =	simm.s32 $_size_execute0_lowered;
	s3 =	sadd.s32 s3, s5;
	[dreg:$0x0] =	wrdreg $0x0  }
0xb7: {  	s5 =	sshll.u32 s28, $0x1;
	[dreg:$0x2] =	wrdreg s3  }
0xb8: {  	[dreg:$0x3] =	wrdreg s5  }
0xb9: {  	[dreg:$0x4] =	wrdreg $0xC0  }
0xba: {  	_ =	task [dreg:s22], $0x5FFFF  }
0xbb: {  	[dreg:$0x1] =	wrdreg $0xFFFFFFFF  }
0xbc: {  	[dreg:$0x0] =	wrdreg $0x60  }
0xbd: {  	[dreg:$0x2] =	wrdreg s24  }
0xbe: {  	[dreg:$0x3] =	wrdreg $0xA  }
0xbf: {  	_ =	task.clear_ibuf [dreg:s22], $0x4FFFF;
	_ =	strace $0x90000049  }
0xc0: {  	s29 =	simm.s32 $0xA;
	_ =	strace $0x8000004B  }
0xc1: {  	_ =	swait.ge [sflag:s29], $0x1  }
0xc2: {  	[sflag:s29] =	ssyncadd.s32 $0xFFFFFFFF  }
0xc3: {  	_ =	strace $0x9000004B  }
0xc4: {  	_ =	sfence  }
0xc5: {  	s30 =	sld [smem:$0x0];
	_ =	sdelay $0x2  }
0xc6: {  	s31 =	sshll.u32 s1, $0xD;
	s1 =	sshrl.u32 s1, $0x2  }
0xc7: {  	s4 =	sand.u32 $0x4000, s31;
	s1 =	sadd.s32 s1, s30  }
0xc8: {  	s0 =	sor.u32 s4, s0;
	s1 =	sshll.u32 s1, $0x11  }
0xc9: {  	s0 =	sor.u32 s1, s0  }
0xca: {  	s0 =	sadd.s32 $0x8F2B, s0  }
0xcb: {  	[sflag:s0] =	ssyncadd.remote.s32 $0x1  }
0xcc: {  	_ =	sfence.sel $0xFFFF  }
0xcd: {  	[dreg:$0x0] =	wrdreg $0xFFFFFFFF;
	(pc) =	sbr.abs _section_cstart, $3  }
0xce: {  	[dreg:$0x1] =	wrdreg $0xFFFFFFFF  }
0xcf: {  	_ =	task.clear_ibuf [dreg:s22], $0x2FFFF;
	_ =	strace $0x9FFFFFFF  }
0xd0: {  	(tm) =	ssettm $0x7FFFFFFF  }
0xd1: {  	_ =	shalt  }
tec
execute0_lowered:
.L_overlay_start_1:
0x0: {  	(tag) =	ssettag $0x1  }
0x1: {  	s1 =	srdreg.scid  }
0x2: {  	s0 =	stileid.u32;
	s4 =	rddreg [dreg:$0x0]  }
0x3: {  	s2 =	simm.s32 $0x0;
	s13 =	simm.s32 $0x5900;
	s14 =	simm.s32 $0x1  }
0x4: {  	s15 =	simm.s32 $0x2;
	s16 =	simm.s32 $0x1880;
	s25 =	smul.u32 $0x190000, s0  }
0x5: {  	s17 =	simm.s32 $0x0;
	s7 =	sand.u32 $0x1, s1;
	s29 =	smul.u32 $0x32000, s0  }
0x6: {  	s3 =	sshll.u32 s0, $0x1;
	s1 =	rddreg [dreg:$0x1];
	s28 =	smul.u32 $0xC8000, s7  }
0x7: {  	[smem:$0x7FF] =	sst s2;
	s5 =	sor.u32 s7, s3;
	s30 =	smul.u32 $0x19000, s7  }
0x8: {  	s12 =	sadd.s32 $0xAE2E00, s4;
	s8 =	ssub.s32 $0x2, s7;
	s6 =	smul.u32 $0x1900, s5  }
0x9: {  	_ =	strace $0x8000004A;
	s9 =	smul.u32 $0xC8000, s5;
	s10 =	sshrl.u32 s8, $0x1  }
0xa: {  	s3 =	sadd.s32 $0xF000, s4;
	s11 =	smul.u32 $0x19000, s5;
	s24 =	ssub.s32 s8, s10  }
0xb: {  	s8 =	sadd.s32 s28, s25;
	s10 =	sadd.s32 s29, s12;
	s6 =	sshrl.u32 s6, $0x3  }
0xc: {  	s26 =	sshrl.u32 s9, $0x3;
	s5 =	smax.u32 s24, $0x1;
	s31 =	sadd.s32 s12, s11  }
0xd: {  	s8 =	sshrl.u32 s8, $0x3;
	s9 =	sadd.s32 s30, s10;
	s10 =	simm.s32 $0x3  }
0xe: {  	s11 =	simm.s32 $0x1900;
	s6 =	sadd.s32 s6, s4;
	s7 =	sadd.s32 $0x18800, s31  }
0xf: {  	s8 =	sadd.s32 s8, s12;
	s4 =	sadd.s32 $0xAD0200, s6;
	s6 =	sadd.s32 s12, s26  }
0x10: {  	s9 =	sadd.s32 $0x800, s9;
	s12 =	simm.s32 $0x80;
	s6 =	sadd.s32 $0x18000, s6  }
.LBB2_1:
0x11: {  	[tilespmem:s2], [sflag:$0x3] =	stream.linear.gather [hbm4b:s4+s2], $0x1900, $0x38;
	[tilespmem:$0x9900] =	vst v63  }
0x12: {  	_ =	swait.ge [sflag:s10], $0x1900  }
0x13: {  	[sflag:s10] =	ssyncset.done $0x0  }
0x14: {  	[sflag:s10] =	ssyncadd.s32 $0xFFFFE700  }
0x15: {  	[tilespmem:s11], [sflag:$0x1] =	stream.indirect.gather [hbm4b:s3+s12], $0x80, s2, s12, $0xb8;
	[tilespmem:$0x9900] =	vst v63  }
0x16: {  	_ = 	snop  }
0x17: {  	[tilespmem:s13], [sflag:$0x2] =	stream.indirect.gather [hbm4b:s3+s12], $0x80, s12, s12, $0xb8;
	[tilespmem:$0x9900] =	vst v63  }
0x18: {  	_ =	swait.ge [sflag:s14], $0x4000  }
0x19: {  	[sflag:s14] =	ssyncset.done $0x0  }
0x1a: {  	s18 =	sadd.s32 $0x0, s8;
	[sflag:s14] =	ssyncadd.s32 $0xFFFFC000  }
0x1b: {  	[hbm4b:s18+s2] =	stream.linear.scatter [tilespmem:s11], [sflag:$0x3], $0x4000, $0x38;
	[tilespmem:$0x9900] =	vst v63  }
0x1c: {  	_ =	swait.ge [sflag:s10], $0x4000  }
0x1d: {  	[sflag:s10] =	ssyncset.done $0x0  }
0x1e: {  	s30 =	simm.s32 $0x100;
	[sflag:s10] =	ssyncadd.s32 $0xFFFFC000  }
0x1f: {  	[tilespmem:s11], [sflag:$0x1] =	stream.indirect.gather [hbm4b:s3+s12], $0x80, s30, s12, $0xb8;
	[tilespmem:$0x9900] =	vst v63  }
0x20: {  	_ =	swait.ge [sflag:s15], $0x4000  }
0x21: {  	[sflag:s15] =	ssyncset.done $0x0  }
0x22: {  	s31 =	sadd.s32 $0x0, s9;
	[sflag:s15] =	ssyncadd.s32 $0xFFFFC000  }
0x23: {  	[hbm4b:s31+s2] =	stream.linear.scatter [tilespmem:s13], [sflag:$0x3], $0x4000, $0x38;
	[tilespmem:$0x9900] =	vst v63  }
0x24: {  	_ =	swait.ge [sflag:s10], $0x4000  }
0x25: {  	s19 =	simm.s32 $0x80;
	s18 =	simm.s32 $0x1000;
	[sflag:s10] =	ssyncset.done $0x0  }
.LBB2_2:
0x26: {  	p0 =	sne.s32 s18, $0x17000;
	[sflag:s10] =	ssyncadd.s32 $0xFFFFC000;
	s19 =	sadd.s32 $0x100, s19  }
0x27: {  	[tilespmem:s13], [sflag:$0x2] =	stream.indirect.gather [hbm4b:s3+s12], $0x80, s19, s12, $0xb8;
	[tilespmem:$0x9900] =	vst v63  }
0x28: {  	s20 =	smov.u32 s18;
	s18 =	sadd.s32 $0x1000, s18;
	_ =	swait.ge [sflag:s14], $0x4000  }
0x29: {  	[sflag:s14] =	ssyncset.done $0x0  }
0x2a: {  	s21 =	sadd.s32 s20, s8;
	[sflag:s14] =	ssyncadd.s32 $0xFFFFC000  }
0x2b: {  	[hbm4b:s21+s2] =	stream.linear.scatter [tilespmem:s11], [sflag:$0x3], $0x4000, $0x38;
	[tilespmem:$0x9900] =	vst v63  }
0x2c: {  	_ =	swait.ge [sflag:s10], $0x4000  }
0x2d: {  	[sflag:s10] =	ssyncset.done $0x0  }
0x2e: {  	s21 =	sadd.s32 $0x80, s19;
	[sflag:s10] =	ssyncadd.s32 $0xFFFFC000  }
0x2f: {  	[tilespmem:s11], [sflag:$0x1] =	stream.indirect.gather [hbm4b:s3+s12], $0x80, s21, s12, $0xb8;
	[tilespmem:$0x9900] =	vst v63  }
0x30: {  	_ =	swait.ge [sflag:s15], $0x4000  }
.Ltmp0:
0x31: {  	[sflag:s15] =	ssyncset.done $0x0;
	(pc) =	sbr.rel @p0 .LBB2_2-.Ltmp0, $4  }
0x32: {  	s20 =	sadd.s32 s20, s9;
	[sflag:s15] =	ssyncadd.s32 $0xFFFFC000  }
0x33: {  	[hbm4b:s20+s2] =	stream.linear.scatter [tilespmem:s13], [sflag:$0x3], $0x4000, $0x38;
	[tilespmem:$0x9900] =	vst v63  }
0x34: {  	_ =	swait.ge [sflag:s10], $0x4000  }
0x35: {  	[sflag:s10] =	ssyncset.done $0x0  }
0x36: {  	[sflag:s10] =	ssyncadd.s32 $0xFFFFC000  }
0x37: {  	[tilespmem:s13], [sflag:$0x2] =	stream.indirect.gather [hbm4b:s3+s12], $0x80, s16, s12, $0xb8;
	[tilespmem:$0x9900] =	vst v63  }
0x38: {  	_ =	swait.ge [sflag:s14], $0x4000  }
0x39: {  	[sflag:s14] =	ssyncset.done $0x0  }
0x3a: {  	[sflag:s14] =	ssyncadd.s32 $0xFFFFC000  }
0x3b: {  	[hbm4b:s6+s2] =	stream.linear.scatter [tilespmem:s11], [sflag:$0x3], $0x4000, $0x38;
	[tilespmem:$0x9900] =	vst v63  }
0x3c: {  	_ =	swait.ge [sflag:s10], $0x4000  }
0x3d: {  	[sflag:s10] =	ssyncset.done $0x0  }
0x3e: {  	[sflag:s10] =	ssyncadd.s32 $0xFFFFC000  }
0x3f: {  	s17 =	sadd.s32 $0x1, s17;
	_ =	swait.ge [sflag:s15], $0x4000  }
0x40: {  	p0 =	sne.s32 s17, s5;
	[sflag:s15] =	ssyncset.done $0x0  }
.Ltmp1:
0x41: {  	[sflag:s15] =	ssyncadd.s32 $0xFFFFC000;
	(pc) =	sbr.rel @p0 .LBB2_1-.Ltmp1, $4  }
0x42: {  	[hbm4b:s7+s2] =	stream.linear.scatter [tilespmem:s13], [sflag:$0x3], $0x4000, $0x38;
	[tilespmem:$0x9900] =	vst v63  }
0x43: {  	_ =	swait.ge [sflag:s10], $0x4000  }
0x44: {  	[sflag:s10] =	ssyncset.done $0x0  }
0x45: {  	[sflag:s10] =	ssyncadd.s32 $0xFFFFC000  }
0x46: {  	_ =	sfence.sel $0x180000  }
0x47: {  	[bflag:$0x0] =	sbarrier.arrive $0xFFFF  }
0x48: {  	p0 =	sne.s32 s0, $0x0;
	_ =	strace $0x9000004A  }
0x49: {  	s0 =	sadd.s32 @!p0 $0x100000, s1;
	[bflag:$0x2] =	sbarrier.arrive $0xFFFF  }
0x4a: {  	[sflag:s0] =	ssyncadd.tile.s32 @!p0 $0x1;
	_ =	shalt  }
.Lfunc_end2:
_tile_overlayer_lowered:
.L_overlay_start_2:
0x4b: {  	(tag) =	ssettag $0x2  }
0x4c: {  	s0 =	rddreg [dreg:$0x0];
	s2 =	stileid.u32  }
0x4d: {  	s1 =	rddreg [dreg:$0x1];
	p0 =	sne.s32 s2, $0x0  }
0x4e: {  	s3 =	rddreg [dreg:$0x2];
	[bflag:$0x3] =	sbarrier.arrive $0xFFFF;
	s2 =	simm.s32 @!p0 $0x1C03  }
0x4f: {  	[timem:s3], [sflag:s2] =	dma.local @!p0 [hbm:s0], s1  }
0x50: {  	s0 =	simm.s32 @!p0 $0x3  }
0x51: {  	_ =	swait.ge @!p0 [sflag:s0], s1  }
0x52: {  	s1 =	ssub.s32 @!p0 $0x0, s1;
	[sflag:s0] =	ssyncset.done @!p0 $0x0  }
0x53: {  	[sflag:s0] =	ssyncadd.s32 @!p0 s1  }
0x54: {  	[bflag:$0x3] =	sbarrier.arrive $0xFFFF  }
0x55: {  	_ =	shalt  }

// kernel: kernel.16.cloned.1.call-start
scs
__scs_entry_jumppad:
0x0: {  	(pc) =	sbr.rel $0x88, $3  }
0x1: {  	(tag) =	ssettag $0x0;
	lr =	simm.s32 $0x1  }
0x2: {  	[smem:$0x3F9D] =	sst lr;
	_ =	strace $0xD0000000  }
0x3: {  	_ = 	snop  }
0x4: {  	_ = 	snop  }
0x5: {  	_ = 	snop  }
0x6: {  	_ = 	snop  }
0x7: {  	_ = 	snop  }
__scs_overlays_trampoline_lowered:
0x8: {  	[smem:$0x3FAC] =	sst s0  }
0x9: {  	[smem:$0x3FAD] =	sst s1  }
0xa: {  	[smem:$0x3FAE] =	sst s2  }
0xb: {  	[smem:$0x3FAF] =	sst s3  }
0xc: {  	[smem:$0x3FB0] =	sst s4  }
0xd: {  	[smem:$0x3FB1] =	sst s5  }
0xe: {  	[smem:$0x3FB2] =	sst s6  }
0xf: {  	[smem:$0x3FB3] =	sst s7  }
0x10: {  	[smem:$0x3FB4] =	sst s8  }
0x11: {  	[smem:$0x3FB5] =	sst s9;
	s0 =	simm.s32 @!p0 $0x0  }
0x12: {  	s1 =	sld [smem:$0x3F9B];
	s0 =	simm.s32 @p0 $0x1  }
0x13: {  	[smem:$0x3FB6] =	sst s0;
	s0 =	simm.s32 @!p1 $0x0  }
0x14: {  	s2 =	sld [smem:$0x3F9A];
	s0 =	simm.s32 @p1 $0x1  }
0x15: {  	[smem:$0x3FB7] =	sst s0;
	s0 =	simm.s32 @!p2 $0x0  }
0x16: {  	s3 =	sld [smem:$0x3FDB];
	s0 =	simm.s32 @p2 $0x1  }
0x17: {  	s4 =	simm.s32 $0x1BF5;
	[smem:$0x3FB9] =	sst s0  }
0x18: {  	s0 =	sld [smem:$0x3F9C];
	_ =	swait.ge [sflag:s4], $0x0  }
0x19: {  	s7 =	sld [smem:$0x3F9D]  }
0x1a: {  	s8 =	sadd.s32 $0xFFFFE003, lr  }
0x1b: {  	s9 =	sadd.s32 $0xFFFFFEF7, lr;
	s5 =	simm.s32 $0xFFFFFFFF;
	p2 =	slt.u32 s8, $0xFFFFF086  }
0x1c: {  	p1 =	slt.u32 s9, $0xF7A;
	s5 =	simm.s32 @!p2 $0x0  }
0x1d: {  	s5 =	simm.s32 @p1 $0x1;
	p0 =	seq.s32 s7, s2  }
0x1e: {  	s7 =	smul.u32 @!p0 $0xF7A, s2;
	p2 =	seq.s32 @!p0 s5, $0x0  }
0x1f: {  	s9 =	smul.u32 $0xF7A, s1;
	s8 =	simm.s32 @!p0 $0x1BF5;
	p2 =	por !p2, p0  }
0x20: {  	[sflag:s8] =	ssyncset.s32 @!p0 $0xFFFFF086;
	s6 =	sadd.s32 @!p0 s3, s7;
	s7 =	simm.s32 @!p0 $0x108  }
0x21: {  	s3 =	sadd.s32 s3, s9;
	s6 =	sadd.s32 @!p0 $0x88, s6;
	s7 =	simm.s32 @p2 $0x1082  }
0x22: {  	[simem:s7], [sflag:s8] =	dma.local @!p0 [hbm:s6], $0xF7A  }
0x23: {  	s9 =	sor.u32 $0xD0000000, s2;
	s6 =	simm.s32 $0x108;
	_ =	swait.ge @!p0 [sflag:s8], $0x0  }
0x24: {  	s3 =	sadd.s32 $0x88, s3;
	s6 =	simm.s32 @!p1 $0x1082;
	[sflag:s4] =	ssyncset.s32 $0xFFFFF086  }
0x25: {  	[simem:s6], [sflag:s4] =	dma.local [hbm:s3], $0xF7A  }
0x26: {  	[smem:$0x3F9D] =	sst s1;
	(tag) =	ssettag s2;
	_ =	strace s9  }
0x27: {  	s1 =	sld [smem:$0x3FAD]  }
0x28: {  	s2 =	sld [smem:$0x3FAE]  }
0x29: {  	s4 =	sld [smem:$0x3FB0]  }
0x2a: {  	p0 =	seq.s32 s5, $0x0;
	s5 =	sld [smem:$0x3FB1]  }
0x2b: {  	s6 =	sld [smem:$0x3FB2]  }
0x2c: {  	s7 =	sld [smem:$0x3FB3]  }
0x2d: {  	s3 =	simm.s32 $0x108;
	s8 =	sld [smem:$0x3FB4]  }
0x2e: {  	s3 =	simm.s32 @!p0 $0x1082;
	s9 =	sld [smem:$0x3FB5]  }
0x2f: {  	lr =	sadd.s32 s0, s3;
	s0 =	sld [smem:$0x3FAC]  }
0x30: {  	s3 =	sld [smem:$0x3FAF]  }
0x31: {  	[smem:$0x3FB8] =	sst s10  }
0x32: {  	s10 =	sld [smem:$0x3FB6];
	_ =	sdelay $0x3  }
0x33: {  	p0 =	seq.s32 s10, $0x1;
	s10 =	sld [smem:$0x3FB8];
	_ =	sdelay $0x3  }
0x34: {  	[smem:$0x3FB8] =	sst s10  }
0x35: {  	s10 =	sld [smem:$0x3FB7];
	_ =	sdelay $0x3  }
0x36: {  	p1 =	seq.s32 s10, $0x1;
	s10 =	sld [smem:$0x3FB8];
	_ =	sdelay $0x3  }
0x37: {  	[smem:$0x3FB8] =	sst s10  }
0x38: {  	s10 =	sld [smem:$0x3FB9]  }
0x39: {  	_ = 	snop;
	(pc) =	sbr.ind lr, $3  }
0x3a: {  	_ = 	snop  }
0x3b: {  	_ = 	snop  }
0x3c: {  	p2 =	seq.s32 s10, $0x1;
	s10 =	sld [smem:$0x3FB8]  }
0x3d: {  	_ =	shalt  }
0x3e: {  	_ =	shalt  }
0x3f: {  	_ =	shalt  }
0x40: {  	_ =	shalt  }
0x41: {  	_ =	shalt  }
0x42: {  	_ =	shalt  }
0x43: {  	_ =	shalt  }
0x44: {  	_ =	shalt  }
0x45: {  	_ =	shalt  }
0x46: {  	_ =	shalt  }
0x47: {  	_ =	shalt  }
0x48: {  	_ =	shalt  }
0x49: {  	_ =	shalt  }
0x4a: {  	_ =	shalt  }
0x4b: {  	_ =	shalt  }
0x4c: {  	_ =	shalt  }
0x4d: {  	_ =	shalt  }
0x4e: {  	_ =	shalt  }
0x4f: {  	_ =	shalt  }
0x50: {  	_ =	shalt  }
0x51: {  	_ =	shalt  }
0x52: {  	_ =	shalt  }
0x53: {  	_ =	shalt  }
0x54: {  	_ =	shalt  }
0x55: {  	_ =	shalt  }
0x56: {  	_ =	shalt  }
0x57: {  	_ =	shalt  }
0x58: {  	_ =	shalt  }
0x59: {  	_ =	shalt  }
0x5a: {  	_ =	shalt  }
0x5b: {  	_ =	shalt  }
0x5c: {  	_ =	shalt  }
0x5d: {  	_ =	shalt  }
0x5e: {  	_ =	shalt  }
0x5f: {  	_ =	shalt  }
0x60: {  	_ =	shalt  }
0x61: {  	_ =	shalt  }
0x62: {  	_ =	shalt  }
0x63: {  	_ =	shalt  }
0x64: {  	_ =	shalt  }
0x65: {  	_ =	shalt  }
0x66: {  	_ =	shalt  }
0x67: {  	_ =	shalt  }
0x68: {  	_ =	shalt  }
0x69: {  	_ =	shalt  }
0x6a: {  	_ =	shalt  }
0x6b: {  	_ =	shalt  }
0x6c: {  	_ =	shalt  }
0x6d: {  	_ =	shalt  }
0x6e: {  	_ =	shalt  }
0x6f: {  	_ =	shalt  }
0x70: {  	_ =	shalt  }
0x71: {  	_ =	shalt  }
0x72: {  	_ =	shalt  }
0x73: {  	_ =	shalt  }
0x74: {  	_ =	shalt  }
0x75: {  	_ =	shalt  }
0x76: {  	_ =	shalt  }
0x77: {  	_ =	shalt  }
0x78: {  	_ =	shalt  }
0x79: {  	_ =	shalt  }
0x7a: {  	_ =	shalt  }
0x7b: {  	_ =	shalt  }
0x7c: {  	_ =	shalt  }
0x7d: {  	_ =	shalt  }
0x7e: {  	_ =	shalt  }
0x7f: {  	_ =	shalt  }
0x80: {  	_ =	shalt  }
0x81: {  	_ =	shalt  }
0x82: {  	_ =	shalt  }
0x83: {  	_ =	shalt  }
0x84: {  	_ =	shalt  }
0x85: {  	_ =	shalt  }
0x86: {  	_ =	shalt  }
0x87: {  	_ =	shalt  }
.Lfunc_end0:
.L_simem_size_0:
called_computation.2_lowered:
.L_overlay_start_0:
0x88: {  	s2 =	sld [smem:$0x3FD9]  }
0x89: {  	s3 =	sld [smem:$0x3FFE];
	_ =	sdelay $0x1  }
0x8a: {  	s1 =	srdreg.scid  }
0x8b: {  	s0 =	sand.u32 $0x1, s1  }
0x8c: {  	s17 =	sshll.u32 s0, $0xA;
	s2 =	sadd.s32 s3, s2  }
0x8d: {  	s2 =	sadd.s32 s2, s17  }
0x8e: {  	[smem:$0x3FC4] =	sst s2  }
0x8f: {  	_ = 	snop  }
0x90: {  	(tm) =	ssettm $0x1  }
0x91: {  	s18 =	sld [smem:$0x3FFB];
	_ =	sdelay $0x3  }
0x92: {  	_ =	strace s18  }
0x93: {  	s2 =	sld [smem:$0x3FFC];
	_ =	sdelay $0x3  }
0x94: {  	_ =	strace s2  }
0x95: {  	s2 =	sld [smem:$0x3FFD];
	_ =	sdelay $0x3  }
0x96: {  	_ =	strace s2  }
0x97: {  	_ =	strace $0x8FFFFFFF  }
0x98: {  	s19 =	sld [smem:$0x3FDB];
	_ =	sdelay $0x1  }
0x99: {  	s20 =	simm.s32 $_scs_section_size  }
0x9a: {  	s4 =	simm.s32 $_size__tile_overlayer_lowered;
	s5 =	simm.s32 $_tile_overlayer_lowered  }
0x9b: {  	s6 =	simm.s32 $0x1BFF;
	s21 =	sshll.u32 s5, $0x1;
	s3 =	sadd.s32 s20, s19  }
0x9c: {  	s22 =	simm.s32 $0x0;
	s4 =	sshll.u32 s4, $0x1;
	s5 =	sadd.s32 s21, s3  }
0x9d: {  	[timem:s22], [sflag:s6] =	dma.local [hbm:s5], s4  }
0x9e: {  	_ =	swait.ge [sflag:s6], s4  }
0x9f: {  	s4 =	ssub.s32 $0x0, s4;
	[sflag:s6] =	ssyncset.done $0x0  }
0xa0: {  	[sflag:s6] =	ssyncadd.s32 s4;
	_ =	sdelay $0x1  }
0xa1: {  	s23 =	simm.s32 $0x1B8B  }
0xa2: {  	_ =	swait.ge [sflag:s23], $0x1  }
0xa3: {  	[sflag:s23] =	ssyncset.done $0x0  }
0xa4: {  	[sflag:s23] =	ssyncadd.s32 $0xFFFFFFFF  }
0xa5: {  	s4 =	sld [smem:$0x0]  }
0xa6: {  	s5 =	sand.u32 $0xFFFFFFFE, s1  }
0xa7: {  	p0 =	sne.s32 s1, s5  }
0xa8: {  	s5 =	sshll.u32 @p0 s5, $0xE  }
0xa9: {  	s5 =	sadd.s32 @p0 $0x11B8D, s5;
	s6 =	sshll.u32 @p0 s4, $0x11  }
0xaa: {  	s5 =	sor.u32 @p0 s6, s5  }
0xab: {  	[sflag:s5] =	ssyncadd.remote.s32 @p0 $0x1;
	_ =	sdelay $0x1  }
0xac: {  	s5 =	simm.s32 @p0 $0x1B8D  }
0xad: {  	_ =	swait.eq @p0 [sflag:s5], $0x1  }
0xae: {  	[sflag:s5] =	ssyncadd.s32 @p0 $0xFFFFFFFF  }
0xaf: {  	s6 =	sshll.u32 @!p0 s1, $0xE  }
0xb0: {  	s6 =	sor.u32 @!p0 $0x4000, s6;
	s5 =	simm.s32 @!p0 $0x1B8D  }
0xb1: {  	s4 =	sshll.u32 @!p0 s4, $0x11;
	s6 =	sadd.s32 @!p0 $0x11B8D, s6;
	_ =	swait.eq @!p0 [sflag:s5], $0x1  }
0xb2: {  	s4 =	sor.u32 @!p0 s4, s6;
	[sflag:s5] =	ssyncadd.s32 @!p0 $0xFFFFFFFF  }
0xb3: {  	s25 =	simm.s32 $0x1B8E;
	s24 =	sld [smem:$0x3FFE];
	[sflag:s4] =	ssyncadd.remote.s32 @!p0 $0x1  }
0xb4: {  	s26 =	simm.s32 $execute0_lowered;
	[smem:$0x3FD2] =	sst s25  }
0xb5: {  	s5 =	sshll.u32 s26, $0x1;
	_ =	strace $0x8000004C;
	[dreg:$0x1] =	wrdreg $0xFFFFFFFF  }
0xb6: {  	s28 =	simm.s32 $_size_execute0_lowered;
	s3 =	sadd.s32 s3, s5;
	[dreg:$0x0] =	wrdreg $0x0  }
0xb7: {  	s5 =	sshll.u32 s28, $0x1;
	[dreg:$0x2] =	wrdreg s3  }
0xb8: {  	[dreg:$0x3] =	wrdreg s5  }
0xb9: {  	[dreg:$0x4] =	wrdreg $0xC0  }
0xba: {  	_ =	task [dreg:s22], $0x5FFFF  }
0xbb: {  	[dreg:$0x1] =	wrdreg $0xFFFFFFFF  }
0xbc: {  	[dreg:$0x0] =	wrdreg $0x60  }
0xbd: {  	[dreg:$0x2] =	wrdreg s24  }
0xbe: {  	[dreg:$0x3] =	wrdreg $0xB  }
0xbf: {  	_ =	task.clear_ibuf [dreg:s22], $0x4FFFF;
	_ =	strace $0x9000004C  }
0xc0: {  	s29 =	simm.s32 $0xB;
	_ =	strace $0x8000004E  }
0xc1: {  	_ =	swait.ge [sflag:s29], $0x1  }
0xc2: {  	[sflag:s29] =	ssyncadd.s32 $0xFFFFFFFF  }
0xc3: {  	_ =	strace $0x9000004E  }
0xc4: {  	_ =	sfence  }
0xc5: {  	s30 =	sld [smem:$0x0];
	_ =	sdelay $0x2  }
0xc6: {  	s31 =	sshll.u32 s1, $0xD;
	s1 =	sshrl.u32 s1, $0x2  }
0xc7: {  	s4 =	sand.u32 $0x4000, s31;
	s1 =	sadd.s32 s1, s30  }
0xc8: {  	s0 =	sor.u32 s4, s0;
	s1 =	sshll.u32 s1, $0x11  }
0xc9: {  	s0 =	sor.u32 s1, s0  }
0xca: {  	s0 =	sadd.s32 $0x8F2B, s0  }
0xcb: {  	[sflag:s0] =	ssyncadd.remote.s32 $0x1  }
0xcc: {  	_ =	sfence.sel $0xFFFF  }
0xcd: {  	[dreg:$0x0] =	wrdreg $0xFFFFFFFF;
	(pc) =	sbr.abs _section_cstart, $3  }
0xce: {  	[dreg:$0x1] =	wrdreg $0xFFFFFFFF  }
0xcf: {  	_ =	task.clear_ibuf [dreg:s22], $0x2FFFF;
	_ =	strace $0x9FFFFFFF  }
0xd0: {  	(tm) =	ssettm $0x7FFFFFFF  }
0xd1: {  	_ =	shalt  }
tec
execute0_lowered:
.L_overlay_start_1:
0x0: {  	(tag) =	ssettag $0x1  }
0x1: {  	s1 =	srdreg.scid  }
0x2: {  	s0 =	stileid.u32;
	s4 =	rddreg [dreg:$0x0]  }
0x3: {  	s2 =	simm.s32 $0x0;
	s13 =	simm.s32 $0x5900;
	s14 =	simm.s32 $0x1  }
0x4: {  	s15 =	simm.s32 $0x2;
	s16 =	simm.s32 $0x1880;
	s25 =	smul.u32 $0x190000, s0  }
0x5: {  	s17 =	simm.s32 $0x0;
	s7 =	sand.u32 $0x1, s1;
	s29 =	smul.u32 $0x32000, s0  }
0x6: {  	s3 =	sshll.u32 s0, $0x1;
	s1 =	rddreg [dreg:$0x1];
	s28 =	smul.u32 $0xC8000, s7  }
0x7: {  	[smem:$0x7FF] =	sst s2;
	s5 =	sor.u32 s7, s3;
	s30 =	smul.u32 $0x19000, s7  }
0x8: {  	s12 =	sadd.s32 $0xE02E00, s4;
	s8 =	ssub.s32 $0x2, s7;
	s6 =	smul.u32 $0x1900, s5  }
0x9: {  	_ =	strace $0x8000004D;
	s9 =	smul.u32 $0xC8000, s5;
	s10 =	sshrl.u32 s8, $0x1  }
0xa: {  	s3 =	sadd.s32 $0xF000, s4;
	s11 =	smul.u32 $0x19000, s5;
	s24 =	ssub.s32 s8, s10  }
0xb: {  	s8 =	sadd.s32 s28, s25;
	s10 =	sadd.s32 s29, s12;
	s6 =	sshrl.u32 s6, $0x3  }
0xc: {  	s26 =	sshrl.u32 s9, $0x3;
	s5 =	smax.u32 s24, $0x1;
	s31 =	sadd.s32 s12, s11  }
0xd: {  	s8 =	sshrl.u32 s8, $0x3;
	s9 =	sadd.s32 s30, s10;
	s10 =	simm.s32 $0x3  }
0xe: {  	s11 =	simm.s32 $0x1900;
	s6 =	sadd.s32 s6, s4;
	s7 =	sadd.s32 $0x18800, s31  }
0xf: {  	s8 =	sadd.s32 s8, s12;
	s4 =	sadd.s32 $0xAD6600, s6;
	s6 =	sadd.s32 s12, s26  }
0x10: {  	s9 =	sadd.s32 $0x800, s9;
	s12 =	simm.s32 $0x80;
	s6 =	sadd.s32 $0x18000, s6  }
.LBB2_1:
0x11: {  	[tilespmem:s2], [sflag:$0x3] =	stream.linear.gather [hbm4b:s4+s2], $0x1900, $0x38;
	[tilespmem:$0x9900] =	vst v63  }
0x12: {  	_ =	swait.ge [sflag:s10], $0x1900  }
0x13: {  	[sflag:s10] =	ssyncset.done $0x0  }
0x14: {  	[sflag:s10] =	ssyncadd.s32 $0xFFFFE700  }
0x15: {  	[tilespmem:s11], [sflag:$0x1] =	stream.indirect.gather [hbm4b:s3+s12], $0x80, s2, s12, $0xb8;
	[tilespmem:$0x9900] =	vst v63  }
0x16: {  	_ = 	snop  }
0x17: {  	[tilespmem:s13], [sflag:$0x2] =	stream.indirect.gather [hbm4b:s3+s12], $0x80, s12, s12, $0xb8;
	[tilespmem:$0x9900] =	vst v63  }
0x18: {  	_ =	swait.ge [sflag:s14], $0x4000  }
0x19: {  	[sflag:s14] =	ssyncset.done $0x0  }
0x1a: {  	s18 =	sadd.s32 $0x0, s8;
	[sflag:s14] =	ssyncadd.s32 $0xFFFFC000  }
0x1b: {  	[hbm4b:s18+s2] =	stream.linear.scatter [tilespmem:s11], [sflag:$0x3], $0x4000, $0x38;
	[tilespmem:$0x9900] =	vst v63  }
0x1c: {  	_ =	swait.ge [sflag:s10], $0x4000  }
0x1d: {  	[sflag:s10] =	ssyncset.done $0x0  }
0x1e: {  	s30 =	simm.s32 $0x100;
	[sflag:s10] =	ssyncadd.s32 $0xFFFFC000  }
0x1f: {  	[tilespmem:s11], [sflag:$0x1] =	stream.indirect.gather [hbm4b:s3+s12], $0x80, s30, s12, $0xb8;
	[tilespmem:$0x9900] =	vst v63  }
0x20: {  	_ =	swait.ge [sflag:s15], $0x4000  }
0x21: {  	[sflag:s15] =	ssyncset.done $0x0  }
0x22: {  	s31 =	sadd.s32 $0x0, s9;
	[sflag:s15] =	ssyncadd.s32 $0xFFFFC000  }
0x23: {  	[hbm4b:s31+s2] =	stream.linear.scatter [tilespmem:s13], [sflag:$0x3], $0x4000, $0x38;
	[tilespmem:$0x9900] =	vst v63  }
0x24: {  	_ =	swait.ge [sflag:s10], $0x4000  }
0x25: {  	s19 =	simm.s32 $0x80;
	s18 =	simm.s32 $0x1000;
	[sflag:s10] =	ssyncset.done $0x0  }
.LBB2_2:
0x26: {  	p0 =	sne.s32 s18, $0x17000;
	[sflag:s10] =	ssyncadd.s32 $0xFFFFC000;
	s19 =	sadd.s32 $0x100, s19  }
0x27: {  	[tilespmem:s13], [sflag:$0x2] =	stream.indirect.gather [hbm4b:s3+s12], $0x80, s19, s12, $0xb8;
	[tilespmem:$0x9900] =	vst v63  }
0x28: {  	s20 =	smov.u32 s18;
	s18 =	sadd.s32 $0x1000, s18;
	_ =	swait.ge [sflag:s14], $0x4000  }
0x29: {  	[sflag:s14] =	ssyncset.done $0x0  }
0x2a: {  	s21 =	sadd.s32 s20, s8;
	[sflag:s14] =	ssyncadd.s32 $0xFFFFC000  }
0x2b: {  	[hbm4b:s21+s2] =	stream.linear.scatter [tilespmem:s11], [sflag:$0x3], $0x4000, $0x38;
	[tilespmem:$0x9900] =	vst v63  }
0x2c: {  	_ =	swait.ge [sflag:s10], $0x4000  }
0x2d: {  	[sflag:s10] =	ssyncset.done $0x0  }
0x2e: {  	s21 =	sadd.s32 $0x80, s19;
	[sflag:s10] =	ssyncadd.s32 $0xFFFFC000  }
0x2f: {  	[tilespmem:s11], [sflag:$0x1] =	stream.indirect.gather [hbm4b:s3+s12], $0x80, s21, s12, $0xb8;
	[tilespmem:$0x9900] =	vst v63  }
0x30: {  	_ =	swait.ge [sflag:s15], $0x4000  }
.Ltmp0:
0x31: {  	[sflag:s15] =	ssyncset.done $0x0;
	(pc) =	sbr.rel @p0 .LBB2_2-.Ltmp0, $4  }
0x32: {  	s20 =	sadd.s32 s20, s9;
	[sflag:s15] =	ssyncadd.s32 $0xFFFFC000  }
0x33: {  	[hbm4b:s20+s2] =	stream.linear.scatter [tilespmem:s13], [sflag:$0x3], $0x4000, $0x38;
	[tilespmem:$0x9900] =	vst v63  }
0x34: {  	_ =	swait.ge [sflag:s10], $0x4000  }
0x35: {  	[sflag:s10] =	ssyncset.done $0x0  }
0x36: {  	[sflag:s10] =	ssyncadd.s32 $0xFFFFC000  }
0x37: {  	[tilespmem:s13], [sflag:$0x2] =	stream.indirect.gather [hbm4b:s3+s12], $0x80, s16, s12, $0xb8;
	[tilespmem:$0x9900] =	vst v63  }
0x38: {  	_ =	swait.ge [sflag:s14], $0x4000  }
0x39: {  	[sflag:s14] =	ssyncset.done $0x0  }
0x3a: {  	[sflag:s14] =	ssyncadd.s32 $0xFFFFC000  }
0x3b: {  	[hbm4b:s6+s2] =	stream.linear.scatter [tilespmem:s11], [sflag:$0x3], $0x4000, $0x38;
	[tilespmem:$0x9900] =	vst v63  }
0x3c: {  	_ =	swait.ge [sflag:s10], $0x4000  }
0x3d: {  	[sflag:s10] =	ssyncset.done $0x0  }
0x3e: {  	[sflag:s10] =	ssyncadd.s32 $0xFFFFC000  }
0x3f: {  	s17 =	sadd.s32 $0x1, s17;
	_ =	swait.ge [sflag:s15], $0x4000  }
0x40: {  	p0 =	sne.s32 s17, s5;
	[sflag:s15] =	ssyncset.done $0x0  }
.Ltmp1:
0x41: {  	[sflag:s15] =	ssyncadd.s32 $0xFFFFC000;
	(pc) =	sbr.rel @p0 .LBB2_1-.Ltmp1, $4  }
0x42: {  	[hbm4b:s7+s2] =	stream.linear.scatter [tilespmem:s13], [sflag:$0x3], $0x4000, $0x38;
	[tilespmem:$0x9900] =	vst v63  }
0x43: {  	_ =	swait.ge [sflag:s10], $0x4000  }
0x44: {  	[sflag:s10] =	ssyncset.done $0x0  }
0x45: {  	[sflag:s10] =	ssyncadd.s32 $0xFFFFC000  }
0x46: {  	_ =	sfence.sel $0x180000  }
0x47: {  	[bflag:$0x0] =	sbarrier.arrive $0xFFFF  }
0x48: {  	p0 =	sne.s32 s0, $0x0;
	_ =	strace $0x9000004D  }
0x49: {  	s0 =	sadd.s32 @!p0 $0x100000, s1;
	[bflag:$0x2] =	sbarrier.arrive $0xFFFF  }
0x4a: {  	[sflag:s0] =	ssyncadd.tile.s32 @!p0 $0x1;
	_ =	shalt  }
.Lfunc_end2:
_tile_overlayer_lowered:
.L_overlay_start_2:
0x4b: {  	(tag) =	ssettag $0x2  }
0x4c: {  	s0 =	rddreg [dreg:$0x0];
	s2 =	stileid.u32  }
0x4d: {  	s1 =	rddreg [dreg:$0x1];
	p0 =	sne.s32 s2, $0x0  }
0x4e: {  	s3 =	rddreg [dreg:$0x2];
	[bflag:$0x3] =	sbarrier.arrive $0xFFFF;
	s2 =	simm.s32 @!p0 $0x1C03  }
0x4f: {  	[timem:s3], [sflag:s2] =	dma.local @!p0 [hbm:s0], s1  }
0x50: {  	s0 =	simm.s32 @!p0 $0x3  }
0x51: {  	_ =	swait.ge @!p0 [sflag:s0], s1  }
0x52: {  	s1 =	ssub.s32 @!p0 $0x0, s1;
	[sflag:s0] =	ssyncset.done @!p0 $0x0  }
0x53: {  	[sflag:s0] =	ssyncadd.s32 @!p0 s1  }
0x54: {  	[bflag:$0x3] =	sbarrier.arrive $0xFFFF  }
0x55: {  	_ =	shalt  }

// kernel: kernel.19.cloned.1.call-start
scs
__scs_entry_jumppad:
0x0: {  	(pc) =	sbr.rel $0x88, $3  }
0x1: {  	(tag) =	ssettag $0x0;
	lr =	simm.s32 $0x1  }
0x2: {  	[smem:$0x3F9D] =	sst lr;
	_ =	strace $0xD0000000  }
0x3: {  	_ = 	snop  }
0x4: {  	_ = 	snop  }
0x5: {  	_ = 	snop  }
0x6: {  	_ = 	snop  }
0x7: {  	_ = 	snop  }
__scs_overlays_trampoline_lowered:
0x8: {  	[smem:$0x3FAC] =	sst s0  }
0x9: {  	[smem:$0x3FAD] =	sst s1  }
0xa: {  	[smem:$0x3FAE] =	sst s2  }
0xb: {  	[smem:$0x3FAF] =	sst s3  }
0xc: {  	[smem:$0x3FB0] =	sst s4  }
0xd: {  	[smem:$0x3FB1] =	sst s5  }
0xe: {  	[smem:$0x3FB2] =	sst s6  }
0xf: {  	[smem:$0x3FB3] =	sst s7  }
0x10: {  	[smem:$0x3FB4] =	sst s8  }
0x11: {  	[smem:$0x3FB5] =	sst s9;
	s0 =	simm.s32 @!p0 $0x0  }
0x12: {  	s1 =	sld [smem:$0x3F9B];
	s0 =	simm.s32 @p0 $0x1  }
0x13: {  	[smem:$0x3FB6] =	sst s0;
	s0 =	simm.s32 @!p1 $0x0  }
0x14: {  	s2 =	sld [smem:$0x3F9A];
	s0 =	simm.s32 @p1 $0x1  }
0x15: {  	[smem:$0x3FB7] =	sst s0;
	s0 =	simm.s32 @!p2 $0x0  }
0x16: {  	s3 =	sld [smem:$0x3FDB];
	s0 =	simm.s32 @p2 $0x1  }
0x17: {  	s4 =	simm.s32 $0x1BF5;
	[smem:$0x3FB9] =	sst s0  }
0x18: {  	s0 =	sld [smem:$0x3F9C];
	_ =	swait.ge [sflag:s4], $0x0  }
0x19: {  	s7 =	sld [smem:$0x3F9D]  }
0x1a: {  	s8 =	sadd.s32 $0xFFFFE003, lr  }
0x1b: {  	s9 =	sadd.s32 $0xFFFFFEF7, lr;
	s5 =	simm.s32 $0xFFFFFFFF;
	p2 =	slt.u32 s8, $0xFFFFF086  }
0x1c: {  	p1 =	slt.u32 s9, $0xF7A;
	s5 =	simm.s32 @!p2 $0x0  }
0x1d: {  	s5 =	simm.s32 @p1 $0x1;
	p0 =	seq.s32 s7, s2  }
0x1e: {  	s7 =	smul.u32 @!p0 $0xF7A, s2;
	p2 =	seq.s32 @!p0 s5, $0x0  }
0x1f: {  	s9 =	smul.u32 $0xF7A, s1;
	s8 =	simm.s32 @!p0 $0x1BF5;
	p2 =	por !p2, p0  }
0x20: {  	[sflag:s8] =	ssyncset.s32 @!p0 $0xFFFFF086;
	s6 =	sadd.s32 @!p0 s3, s7;
	s7 =	simm.s32 @!p0 $0x108  }
0x21: {  	s3 =	sadd.s32 s3, s9;
	s6 =	sadd.s32 @!p0 $0x88, s6;
	s7 =	simm.s32 @p2 $0x1082  }
0x22: {  	[simem:s7], [sflag:s8] =	dma.local @!p0 [hbm:s6], $0xF7A  }
0x23: {  	s9 =	sor.u32 $0xD0000000, s2;
	s6 =	simm.s32 $0x108;
	_ =	swait.ge @!p0 [sflag:s8], $0x0  }
0x24: {  	s3 =	sadd.s32 $0x88, s3;
	s6 =	simm.s32 @!p1 $0x1082;
	[sflag:s4] =	ssyncset.s32 $0xFFFFF086  }
0x25: {  	[simem:s6], [sflag:s4] =	dma.local [hbm:s3], $0xF7A  }
0x26: {  	[smem:$0x3F9D] =	sst s1;
	(tag) =	ssettag s2;
	_ =	strace s9  }
0x27: {  	s1 =	sld [smem:$0x3FAD]  }
0x28: {  	s2 =	sld [smem:$0x3FAE]  }
0x29: {  	s4 =	sld [smem:$0x3FB0]  }
0x2a: {  	p0 =	seq.s32 s5, $0x0;
	s5 =	sld [smem:$0x3FB1]  }
0x2b: {  	s6 =	sld [smem:$0x3FB2]  }
0x2c: {  	s7 =	sld [smem:$0x3FB3]  }
0x2d: {  	s3 =	simm.s32 $0x108;
	s8 =	sld [smem:$0x3FB4]  }
0x2e: {  	s3 =	simm.s32 @!p0 $0x1082;
	s9 =	sld [smem:$0x3FB5]  }
0x2f: {  	lr =	sadd.s32 s0, s3;
	s0 =	sld [smem:$0x3FAC]  }
0x30: {  	s3 =	sld [smem:$0x3FAF]  }
0x31: {  	[smem:$0x3FB8] =	sst s10  }
0x32: {  	s10 =	sld [smem:$0x3FB6];
	_ =	sdelay $0x3  }
0x33: {  	p0 =	seq.s32 s10, $0x1;
	s10 =	sld [smem:$0x3FB8];
	_ =	sdelay $0x3  }
0x34: {  	[smem:$0x3FB8] =	sst s10  }
0x35: {  	s10 =	sld [smem:$0x3FB7];
	_ =	sdelay $0x3  }
0x36: {  	p1 =	seq.s32 s10, $0x1;
	s10 =	sld [smem:$0x3FB8];
	_ =	sdelay $0x3  }
0x37: {  	[smem:$0x3FB8] =	sst s10  }
0x38: {  	s10 =	sld [smem:$0x3FB9]  }
0x39: {  	_ = 	snop;
	(pc) =	sbr.ind lr, $3  }
0x3a: {  	_ = 	snop  }
0x3b: {  	_ = 	snop  }
0x3c: {  	p2 =	seq.s32 s10, $0x1;
	s10 =	sld [smem:$0x3FB8]  }
0x3d: {  	_ =	shalt  }
0x3e: {  	_ =	shalt  }
0x3f: {  	_ =	shalt  }
0x40: {  	_ =	shalt  }
0x41: {  	_ =	shalt  }
0x42: {  	_ =	shalt  }
0x43: {  	_ =	shalt  }
0x44: {  	_ =	shalt  }
0x45: {  	_ =	shalt  }
0x46: {  	_ =	shalt  }
0x47: {  	_ =	shalt  }
0x48: {  	_ =	shalt  }
0x49: {  	_ =	shalt  }
0x4a: {  	_ =	shalt  }
0x4b: {  	_ =	shalt  }
0x4c: {  	_ =	shalt  }
0x4d: {  	_ =	shalt  }
0x4e: {  	_ =	shalt  }
0x4f: {  	_ =	shalt  }
0x50: {  	_ =	shalt  }
0x51: {  	_ =	shalt  }
0x52: {  	_ =	shalt  }
0x53: {  	_ =	shalt  }
0x54: {  	_ =	shalt  }
0x55: {  	_ =	shalt  }
0x56: {  	_ =	shalt  }
0x57: {  	_ =	shalt  }
0x58: {  	_ =	shalt  }
0x59: {  	_ =	shalt  }
0x5a: {  	_ =	shalt  }
0x5b: {  	_ =	shalt  }
0x5c: {  	_ =	shalt  }
0x5d: {  	_ =	shalt  }
0x5e: {  	_ =	shalt  }
0x5f: {  	_ =	shalt  }
0x60: {  	_ =	shalt  }
0x61: {  	_ =	shalt  }
0x62: {  	_ =	shalt  }
0x63: {  	_ =	shalt  }
0x64: {  	_ =	shalt  }
0x65: {  	_ =	shalt  }
0x66: {  	_ =	shalt  }
0x67: {  	_ =	shalt  }
0x68: {  	_ =	shalt  }
0x69: {  	_ =	shalt  }
0x6a: {  	_ =	shalt  }
0x6b: {  	_ =	shalt  }
0x6c: {  	_ =	shalt  }
0x6d: {  	_ =	shalt  }
0x6e: {  	_ =	shalt  }
0x6f: {  	_ =	shalt  }
0x70: {  	_ =	shalt  }
0x71: {  	_ =	shalt  }
0x72: {  	_ =	shalt  }
0x73: {  	_ =	shalt  }
0x74: {  	_ =	shalt  }
0x75: {  	_ =	shalt  }
0x76: {  	_ =	shalt  }
0x77: {  	_ =	shalt  }
0x78: {  	_ =	shalt  }
0x79: {  	_ =	shalt  }
0x7a: {  	_ =	shalt  }
0x7b: {  	_ =	shalt  }
0x7c: {  	_ =	shalt  }
0x7d: {  	_ =	shalt  }
0x7e: {  	_ =	shalt  }
0x7f: {  	_ =	shalt  }
0x80: {  	_ =	shalt  }
0x81: {  	_ =	shalt  }
0x82: {  	_ =	shalt  }
0x83: {  	_ =	shalt  }
0x84: {  	_ =	shalt  }
0x85: {  	_ =	shalt  }
0x86: {  	_ =	shalt  }
0x87: {  	_ =	shalt  }
.Lfunc_end0:
.L_simem_size_0:
called_computation.3_lowered:
.L_overlay_start_0:
0x88: {  	s2 =	sld [smem:$0x3FD9]  }
0x89: {  	s3 =	sld [smem:$0x3FFE];
	_ =	sdelay $0x1  }
0x8a: {  	s1 =	srdreg.scid  }
0x8b: {  	s0 =	sand.u32 $0x1, s1  }
0x8c: {  	s17 =	sshll.u32 s0, $0xA;
	s2 =	sadd.s32 s3, s2  }
0x8d: {  	s2 =	sadd.s32 s2, s17  }
0x8e: {  	[smem:$0x3FC4] =	sst s2  }
0x8f: {  	_ = 	snop  }
0x90: {  	(tm) =	ssettm $0x1  }
0x91: {  	s18 =	sld [smem:$0x3FFB];
	_ =	sdelay $0x3  }
0x92: {  	_ =	strace s18  }
0x93: {  	s2 =	sld [smem:$0x3FFC];
	_ =	sdelay $0x3  }
0x94: {  	_ =	strace s2  }
0x95: {  	s2 =	sld [smem:$0x3FFD];
	_ =	sdelay $0x3  }
0x96: {  	_ =	strace s2  }
0x97: {  	_ =	strace $0x8FFFFFFF  }
0x98: {  	s19 =	sld [smem:$0x3FDB];
	_ =	sdelay $0x1  }
0x99: {  	s20 =	simm.s32 $_scs_section_size  }
0x9a: {  	s4 =	simm.s32 $_size__tile_overlayer_lowered;
	s5 =	simm.s32 $_tile_overlayer_lowered  }
0x9b: {  	s6 =	simm.s32 $0x1BFF;
	s21 =	sshll.u32 s5, $0x1;
	s3 =	sadd.s32 s20, s19  }
0x9c: {  	s22 =	simm.s32 $0x0;
	s4 =	sshll.u32 s4, $0x1;
	s5 =	sadd.s32 s21, s3  }
0x9d: {  	[timem:s22], [sflag:s6] =	dma.local [hbm:s5], s4  }
0x9e: {  	_ =	swait.ge [sflag:s6], s4  }
0x9f: {  	s4 =	ssub.s32 $0x0, s4;
	[sflag:s6] =	ssyncset.done $0x0  }
0xa0: {  	[sflag:s6] =	ssyncadd.s32 s4;
	_ =	sdelay $0x1  }
0xa1: {  	s23 =	simm.s32 $0x1B8B  }
0xa2: {  	_ =	swait.ge [sflag:s23], $0x1  }
0xa3: {  	[sflag:s23] =	ssyncset.done $0x0  }
0xa4: {  	[sflag:s23] =	ssyncadd.s32 $0xFFFFFFFF  }
0xa5: {  	s4 =	sld [smem:$0x0]  }
0xa6: {  	s5 =	sand.u32 $0xFFFFFFFE, s1  }
0xa7: {  	p0 =	sne.s32 s1, s5  }
0xa8: {  	s5 =	sshll.u32 @p0 s5, $0xE  }
0xa9: {  	s5 =	sadd.s32 @p0 $0x11B8D, s5;
	s6 =	sshll.u32 @p0 s4, $0x11  }
0xaa: {  	s5 =	sor.u32 @p0 s6, s5  }
0xab: {  	[sflag:s5] =	ssyncadd.remote.s32 @p0 $0x1;
	_ =	sdelay $0x1  }
0xac: {  	s5 =	simm.s32 @p0 $0x1B8D  }
0xad: {  	_ =	swait.eq @p0 [sflag:s5], $0x1  }
0xae: {  	[sflag:s5] =	ssyncadd.s32 @p0 $0xFFFFFFFF  }
0xaf: {  	s6 =	sshll.u32 @!p0 s1, $0xE  }
0xb0: {  	s6 =	sor.u32 @!p0 $0x4000, s6;
	s5 =	simm.s32 @!p0 $0x1B8D  }
0xb1: {  	s4 =	sshll.u32 @!p0 s4, $0x11;
	s6 =	sadd.s32 @!p0 $0x11B8D, s6;
	_ =	swait.eq @!p0 [sflag:s5], $0x1  }
0xb2: {  	s4 =	sor.u32 @!p0 s4, s6;
	[sflag:s5] =	ssyncadd.s32 @!p0 $0xFFFFFFFF  }
0xb3: {  	s25 =	simm.s32 $0x1B8E;
	s24 =	sld [smem:$0x3FFE];
	[sflag:s4] =	ssyncadd.remote.s32 @!p0 $0x1  }
0xb4: {  	s26 =	simm.s32 $execute0_lowered;
	[smem:$0x3FD2] =	sst s25  }
0xb5: {  	s5 =	sshll.u32 s26, $0x1;
	_ =	strace $0x8000004F;
	[dreg:$0x1] =	wrdreg $0xFFFFFFFF  }
0xb6: {  	s28 =	simm.s32 $_size_execute0_lowered;
	s3 =	sadd.s32 s3, s5;
	[dreg:$0x0] =	wrdreg $0x0  }
0xb7: {  	s5 =	sshll.u32 s28, $0x1;
	[dreg:$0x2] =	wrdreg s3  }
0xb8: {  	[dreg:$0x3] =	wrdreg s5  }
0xb9: {  	[dreg:$0x4] =	wrdreg $0xC0  }
0xba: {  	_ =	task [dreg:s22], $0x5FFFF  }
0xbb: {  	[dreg:$0x1] =	wrdreg $0xFFFFFFFF  }
0xbc: {  	[dreg:$0x0] =	wrdreg $0x60  }
0xbd: {  	[dreg:$0x2] =	wrdreg s24  }
0xbe: {  	[dreg:$0x3] =	wrdreg $0xC  }
0xbf: {  	_ =	task.clear_ibuf [dreg:s22], $0x4FFFF;
	_ =	strace $0x9000004F  }
0xc0: {  	s29 =	simm.s32 $0xC;
	_ =	strace $0x80000051  }
0xc1: {  	_ =	swait.ge [sflag:s29], $0x1  }
0xc2: {  	[sflag:s29] =	ssyncadd.s32 $0xFFFFFFFF  }
0xc3: {  	_ =	strace $0x90000051  }
0xc4: {  	_ =	sfence  }
0xc5: {  	s30 =	sld [smem:$0x0];
	_ =	sdelay $0x2  }
0xc6: {  	s31 =	sshll.u32 s1, $0xD;
	s1 =	sshrl.u32 s1, $0x2  }
0xc7: {  	s4 =	sand.u32 $0x4000, s31;
	s1 =	sadd.s32 s1, s30  }
0xc8: {  	s0 =	sor.u32 s4, s0;
	s1 =	sshll.u32 s1, $0x11  }
0xc9: {  	s0 =	sor.u32 s1, s0  }
0xca: {  	s0 =	sadd.s32 $0x8F2B, s0  }
0xcb: {  	[sflag:s0] =	ssyncadd.remote.s32 $0x1  }
0xcc: {  	_ =	sfence.sel $0xFFFF  }
0xcd: {  	[dreg:$0x0] =	wrdreg $0xFFFFFFFF;
	(pc) =	sbr.abs _section_cstart, $3  }
0xce: {  	[dreg:$0x1] =	wrdreg $0xFFFFFFFF  }
0xcf: {  	_ =	task.clear_ibuf [dreg:s22], $0x2FFFF;
	_ =	strace $0x9FFFFFFF  }
0xd0: {  	(tm) =	ssettm $0x7FFFFFFF  }
0xd1: {  	_ =	shalt  }
tec
execute0_lowered:
.L_overlay_start_1:
0x0: {  	(tag) =	ssettag $0x1  }
0x1: {  	s1 =	srdreg.scid  }
0x2: {  	s0 =	stileid.u32;
	s4 =	rddreg [dreg:$0x0]  }
0x3: {  	s2 =	simm.s32 $0x0;
	s13 =	simm.s32 $0x5900;
	s14 =	simm.s32 $0x1  }
0x4: {  	s15 =	simm.s32 $0x2;
	s16 =	simm.s32 $0x1880;
	s25 =	smul.u32 $0x190000, s0  }
0x5: {  	s17 =	simm.s32 $0x0;
	s7 =	sand.u32 $0x1, s1;
	s29 =	smul.u32 $0x32000, s0  }
0x6: {  	s3 =	sshll.u32 s0, $0x1;
	s1 =	rddreg [dreg:$0x1];
	s28 =	smul.u32 $0xC8000, s7  }
0x7: {  	[smem:$0x7FF] =	sst s2;
	s5 =	sor.u32 s7, s3;
	s30 =	smul.u32 $0x19000, s7  }
0x8: {  	s12 =	sadd.s32 $0x1122E00, s4;
	s8 =	ssub.s32 $0x2, s7;
	s6 =	smul.u32 $0x1900, s5  }
0x9: {  	_ =	strace $0x80000050;
	s9 =	smul.u32 $0xC8000, s5;
	s10 =	sshrl.u32 s8, $0x1  }
0xa: {  	s3 =	sadd.s32 $0xF000, s4;
	s11 =	smul.u32 $0x19000, s5;
	s24 =	ssub.s32 s8, s10  }
0xb: {  	s8 =	sadd.s32 s28, s25;
	s10 =	sadd.s32 s29, s12;
	s6 =	sshrl.u32 s6, $0x3  }
0xc: {  	s26 =	sshrl.u32 s9, $0x3;
	s5 =	smax.u32 s24, $0x1;
	s31 =	sadd.s32 s12, s11  }
0xd: {  	s8 =	sshrl.u32 s8, $0x3;
	s9 =	sadd.s32 s30, s10;
	s10 =	simm.s32 $0x3  }
0xe: {  	s11 =	simm.s32 $0x1900;
	s6 =	sadd.s32 s6, s4;
	s7 =	sadd.s32 $0x18800, s31  }
0xf: {  	s8 =	sadd.s32 s8, s12;
	s4 =	sadd.s32 $0xADCA00, s6;
	s6 =	sadd.s32 s12, s26  }
0x10: {  	s9 =	sadd.s32 $0x800, s9;
	s12 =	simm.s32 $0x80;
	s6 =	sadd.s32 $0x18000, s6  }
.LBB2_1:
0x11: {  	[tilespmem:s2], [sflag:$0x3] =	stream.linear.gather [hbm4b:s4+s2], $0x1900, $0x38;
	[tilespmem:$0x9900] =	vst v63  }
0x12: {  	_ =	swait.ge [sflag:s10], $0x1900  }
0x13: {  	[sflag:s10] =	ssyncset.done $0x0  }
0x14: {  	[sflag:s10] =	ssyncadd.s32 $0xFFFFE700  }
0x15: {  	[tilespmem:s11], [sflag:$0x1] =	stream.indirect.gather [hbm4b:s3+s12], $0x80, s2, s12, $0xb8;
	[tilespmem:$0x9900] =	vst v63  }
0x16: {  	_ = 	snop  }
0x17: {  	[tilespmem:s13], [sflag:$0x2] =	stream.indirect.gather [hbm4b:s3+s12], $0x80, s12, s12, $0xb8;
	[tilespmem:$0x9900] =	vst v63  }
0x18: {  	_ =	swait.ge [sflag:s14], $0x4000  }
0x19: {  	[sflag:s14] =	ssyncset.done $0x0  }
0x1a: {  	s18 =	sadd.s32 $0x0, s8;
	[sflag:s14] =	ssyncadd.s32 $0xFFFFC000  }
0x1b: {  	[hbm4b:s18+s2] =	stream.linear.scatter [tilespmem:s11], [sflag:$0x3], $0x4000, $0x38;
	[tilespmem:$0x9900] =	vst v63  }
0x1c: {  	_ =	swait.ge [sflag:s10], $0x4000  }
0x1d: {  	[sflag:s10] =	ssyncset.done $0x0  }
0x1e: {  	s30 =	simm.s32 $0x100;
	[sflag:s10] =	ssyncadd.s32 $0xFFFFC000  }
0x1f: {  	[tilespmem:s11], [sflag:$0x1] =	stream.indirect.gather [hbm4b:s3+s12], $0x80, s30, s12, $0xb8;
	[tilespmem:$0x9900] =	vst v63  }
0x20: {  	_ =	swait.ge [sflag:s15], $0x4000  }
0x21: {  	[sflag:s15] =	ssyncset.done $0x0  }
0x22: {  	s31 =	sadd.s32 $0x0, s9;
	[sflag:s15] =	ssyncadd.s32 $0xFFFFC000  }
0x23: {  	[hbm4b:s31+s2] =	stream.linear.scatter [tilespmem:s13], [sflag:$0x3], $0x4000, $0x38;
	[tilespmem:$0x9900] =	vst v63  }
0x24: {  	_ =	swait.ge [sflag:s10], $0x4000  }
0x25: {  	s19 =	simm.s32 $0x80;
	s18 =	simm.s32 $0x1000;
	[sflag:s10] =	ssyncset.done $0x0  }
.LBB2_2:
0x26: {  	p0 =	sne.s32 s18, $0x17000;
	[sflag:s10] =	ssyncadd.s32 $0xFFFFC000;
	s19 =	sadd.s32 $0x100, s19  }
0x27: {  	[tilespmem:s13], [sflag:$0x2] =	stream.indirect.gather [hbm4b:s3+s12], $0x80, s19, s12, $0xb8;
	[tilespmem:$0x9900] =	vst v63  }
0x28: {  	s20 =	smov.u32 s18;
	s18 =	sadd.s32 $0x1000, s18;
	_ =	swait.ge [sflag:s14], $0x4000  }
0x29: {  	[sflag:s14] =	ssyncset.done $0x0  }
0x2a: {  	s21 =	sadd.s32 s20, s8;
	[sflag:s14] =	ssyncadd.s32 $0xFFFFC000  }
0x2b: {  	[hbm4b:s21+s2] =	stream.linear.scatter [tilespmem:s11], [sflag:$0x3], $0x4000, $0x38;
	[tilespmem:$0x9900] =	vst v63  }
0x2c: {  	_ =	swait.ge [sflag:s10], $0x4000  }
0x2d: {  	[sflag:s10] =	ssyncset.done $0x0  }
0x2e: {  	s21 =	sadd.s32 $0x80, s19;
	[sflag:s10] =	ssyncadd.s32 $0xFFFFC000  }
0x2f: {  	[tilespmem:s11], [sflag:$0x1] =	stream.indirect.gather [hbm4b:s3+s12], $0x80, s21, s12, $0xb8;
	[tilespmem:$0x9900] =	vst v63  }
0x30: {  	_ =	swait.ge [sflag:s15], $0x4000  }
.Ltmp0:
0x31: {  	[sflag:s15] =	ssyncset.done $0x0;
	(pc) =	sbr.rel @p0 .LBB2_2-.Ltmp0, $4  }
0x32: {  	s20 =	sadd.s32 s20, s9;
	[sflag:s15] =	ssyncadd.s32 $0xFFFFC000  }
0x33: {  	[hbm4b:s20+s2] =	stream.linear.scatter [tilespmem:s13], [sflag:$0x3], $0x4000, $0x38;
	[tilespmem:$0x9900] =	vst v63  }
0x34: {  	_ =	swait.ge [sflag:s10], $0x4000  }
0x35: {  	[sflag:s10] =	ssyncset.done $0x0  }
0x36: {  	[sflag:s10] =	ssyncadd.s32 $0xFFFFC000  }
0x37: {  	[tilespmem:s13], [sflag:$0x2] =	stream.indirect.gather [hbm4b:s3+s12], $0x80, s16, s12, $0xb8;
	[tilespmem:$0x9900] =	vst v63  }
0x38: {  	_ =	swait.ge [sflag:s14], $0x4000  }
0x39: {  	[sflag:s14] =	ssyncset.done $0x0  }
0x3a: {  	[sflag:s14] =	ssyncadd.s32 $0xFFFFC000  }
0x3b: {  	[hbm4b:s6+s2] =	stream.linear.scatter [tilespmem:s11], [sflag:$0x3], $0x4000, $0x38;
	[tilespmem:$0x9900] =	vst v63  }
0x3c: {  	_ =	swait.ge [sflag:s10], $0x4000  }
0x3d: {  	[sflag:s10] =	ssyncset.done $0x0  }
0x3e: {  	[sflag:s10] =	ssyncadd.s32 $0xFFFFC000  }
0x3f: {  	s17 =	sadd.s32 $0x1, s17;
	_ =	swait.ge [sflag:s15], $0x4000  }
0x40: {  	p0 =	sne.s32 s17, s5;
	[sflag:s15] =	ssyncset.done $0x0  }
.Ltmp1:
0x41: {  	[sflag:s15] =	ssyncadd.s32 $0xFFFFC000;
	(pc) =	sbr.rel @p0 .LBB2_1-.Ltmp1, $4  }
0x42: {  	[hbm4b:s7+s2] =	stream.linear.scatter [tilespmem:s13], [sflag:$0x3], $0x4000, $0x38;
	[tilespmem:$0x9900] =	vst v63  }
0x43: {  	_ =	swait.ge [sflag:s10], $0x4000  }
0x44: {  	[sflag:s10] =	ssyncset.done $0x0  }
0x45: {  	[sflag:s10] =	ssyncadd.s32 $0xFFFFC000  }
0x46: {  	_ =	sfence.sel $0x180000  }
0x47: {  	[bflag:$0x0] =	sbarrier.arrive $0xFFFF  }
0x48: {  	p0 =	sne.s32 s0, $0x0;
	_ =	strace $0x90000050  }
0x49: {  	s0 =	sadd.s32 @!p0 $0x100000, s1;
	[bflag:$0x2] =	sbarrier.arrive $0xFFFF  }
0x4a: {  	[sflag:s0] =	ssyncadd.tile.s32 @!p0 $0x1;
	_ =	shalt  }
.Lfunc_end2:
_tile_overlayer_lowered:
.L_overlay_start_2:
0x4b: {  	(tag) =	ssettag $0x2  }
0x4c: {  	s0 =	rddreg [dreg:$0x0];
	s2 =	stileid.u32  }
0x4d: {  	s1 =	rddreg [dreg:$0x1];
	p0 =	sne.s32 s2, $0x0  }
0x4e: {  	s3 =	rddreg [dreg:$0x2];
	[bflag:$0x3] =	sbarrier.arrive $0xFFFF;
	s2 =	simm.s32 @!p0 $0x1C03  }
0x4f: {  	[timem:s3], [sflag:s2] =	dma.local @!p0 [hbm:s0], s1  }
0x50: {  	s0 =	simm.s32 @!p0 $0x3  }
0x51: {  	_ =	swait.ge @!p0 [sflag:s0], s1  }
0x52: {  	s1 =	ssub.s32 @!p0 $0x0, s1;
	[sflag:s0] =	ssyncset.done @!p0 $0x0  }
0x53: {  	[sflag:s0] =	ssyncadd.s32 @!p0 s1  }
0x54: {  	[bflag:$0x3] =	sbarrier.arrive $0xFFFF  }
0x55: {  	_ =	shalt  }

</sc_bundles>
